<compile_context>
chip_gen: v7x
topology: tpu7x:2x2x1
jax: 0.10.2.dev20260603
libtpu: 0.0.44.dev20260713+nightly
codegen_flags: <defaults>
</compile_context>

<pallas_src>
import functools

import jax
import jax.numpy as jnp
from jax import lax
from jax.experimental import pallas as pl
from jax.experimental.pallas import tpu as pltpu
from jax.experimental.pallas import tpu_sc as plsc

NC = 2
NS = 16
NW = NC * NS
IW = 128
SPC = 2
CH = IW * SPC
NBUF = 5
LA = 2


def kernel(input_ids, token_table, position_table):
    B, S = input_ids.shape
    V, D = token_table.shape
    N = B * S
    assert N % (NW * CH) == 0
    CPW = N // (NW * CH)
    assert CPW % NBUF == 0

    ids2d = input_ids.reshape(N // IW, IW).astype(jnp.int32)

    reps = -(-(S + CH) // S)
    pos3 = jnp.concatenate([position_table] * reps, axis=0)
    PR = reps * S

    mesh = plsc.VectorSubcoreMesh(
        core_axis_name="c", subcore_axis_name="s", num_cores=NC, num_subcores=NS
    )

    @functools.partial(
        pl.kernel,
        out_type=jax.ShapeDtypeStruct((N, D), jnp.float32),
        mesh=mesh,
        scratch_types=[
            pltpu.VMEM((CPW * SPC, IW), jnp.int32),
            pltpu.VMEM_SHARED((PR, D), jnp.float32),
        ]
        + [pltpu.VMEM((CH, D), jnp.float32)] * NBUF
        + [pltpu.SemaphoreType.DMA] * (3 * NBUF),
        compiler_params=pltpu.CompilerParams(use_tc_tiling_on_sc=False),
    )
    def run(ids_hbm, tok_hbm, pos_hbm, out_hbm, idx_v, pos_sp, *rest):
        rows = rest[:NBUF]
        psem = rest[NBUF : 2 * NBUF]
        gsem = rest[2 * NBUF : 3 * NBUF]
        wsem = rest[3 * NBUF : 4 * NBUF]

        sid = lax.axis_index("s")
        wid = sid * NC + lax.axis_index("c")
        row0 = wid * CPW * CH
        T = CPW

        @pl.when(sid == 0)
        def _():
            pltpu.sync_copy(pos_hbm, pos_sp)

        pltpu.sync_copy(ids_hbm.at[pl.ds(wid * CPW * SPC, CPW * SPC)], idx_v)
        plsc.subcore_barrier()

        def start_prefill(j, b):
            p0 = lax.rem(row0 + j * CH, S)
            pltpu.async_copy(pos_sp.at[pl.ds(p0, CH)], rows[b], psem[b])

        def wait_prefill(b):
            pltpu.make_async_copy(pos_sp.at[pl.ds(0, CH)], rows[b], psem[b]).wait()

        def start_gather(j, b):
            for s in range(SPC):
                pltpu.async_copy(
                    tok_hbm.at[idx_v.at[j * SPC + s]],
                    rows[b].at[pl.ds(s * IW, IW)],
                    gsem[b],
                    add=True,
                )

        def wait_gather(b):
            pltpu.make_async_copy(tok_hbm.at[pl.ds(0, CH)], rows[b], gsem[b]).wait()

        def start_write(j, b):
            start = pl.multiple_of(row0 + j * CH, CH)
            pltpu.async_copy(rows[b], out_hbm.at[pl.ds(start, CH)], wsem[b])

        def wait_write(b):
            pltpu.make_async_copy(rows[b], out_hbm.at[pl.ds(0, CH)], wsem[b]).wait()

        for jj in range(LA + 1):
            start_prefill(jj, jj)
        for jj in range(LA):
            wait_prefill(jj)
            start_gather(jj, jj)

        def outer(g, carry):
            jb = g * NBUF
            for b in range(NBUF):
                j = jb + b
                bP = (b + LA + 1) % NBUF
                bG = (b + LA) % NBUF
                jP = j + LA + 1
                jG = j + LA

                @pl.when(jP < T)
                def _():
                    @pl.when(jP >= NBUF)
                    def _():
                        wait_write(bP)

                    start_prefill(jP, bP)

                @pl.when(jG < T)
                def _():
                    wait_prefill(bG)
                    start_gather(jG, bG)

                wait_gather(b)
                start_write(j, b)
            return carry

        lax.fori_loop(0, T // NBUF, outer, 0)
        for b in range(NBUF):
            wait_write(b)

    out = run(ids2d, token_table, pos3)
    return out.reshape(B, S, D)

# --- scband reference (transcript-rebuilt; emitter-appended) ---
"""Pipeline reference for scband-embeddings-71932112273743 (READ-ONLY COPY).

The authoritative reference and input builder live on the scoring server;
editing this copy changes nothing except your own understanding.
"""

import jax, jax.numpy as jnp
import numpy as np

VOCAB = 1000000
EMBED_DIM = 64
MAX_SEQ_LEN = 200
BATCH = 4096
SEQ = 200

def setup_inputs(seed: int = 0) -> dict:
    key = jax.random.key(seed)
    k1, k2, k3 = jax.random.split(key, 3)
    input_ids = jax.random.randint(k1, (BATCH, SEQ), 0, VOCAB, dtype=jnp.int64 if jax.config.jax_enable_x64 else jnp.int32)
    token_table = jax.random.normal(k2, (VOCAB, EMBED_DIM), dtype=jnp.float32) * 0.02
    position_table = jax.random.normal(k3, (MAX_SEQ_LEN, EMBED_DIM), dtype=jnp.float32) * 0.02
    return {"input_ids": input_ids, "token_table": token_table, "position_table": position_table}

def reference(input_ids, token_table, position_table):
    seq_len = input_ids.shape[1]
    position_ids = jnp.arange(seq_len)
    position_ids = jnp.broadcast_to(position_ids[None, :], input_ids.shape)
    token_embeds = jnp.take(token_table, input_ids, axis=0)
    position_embeds = jnp.take(position_table, position_ids, axis=0)
    embeddings = token_embeds + position_embeds
    # dropout is identity in eval mode / deterministic reference
    return embeddings

if __name__ == "__main__":
    import jax
    _d = setup_inputs()
    print(jax.jit(kernel)(*tuple(_d.values())))

</pallas_src>

<mosaic_0001>
#map = affine_map<(d0, d1) -> (0, 0)>
module attributes {stable_mosaic.version = 14 : i64} {
  func.func @run(%arg0: i32, %arg1: i32, %arg2: memref<6400x128xi32, #tpu.memory_space<hbm>>, %arg3: memref<1000000x64xf32, #tpu.memory_space<hbm>>, %arg4: memref<600x64xf32, #tpu.memory_space<hbm>>, %arg5: memref<819200x64xf32, #tpu.memory_space<hbm>>, %arg6: memref<200x128xi32, #tpu.memory_space<vmem>>, %arg7: memref<600x64xf32, #tpu.memory_space<vmem_shared>>, %arg8: memref<256x64xf32, #tpu.memory_space<vmem>>, %arg9: memref<256x64xf32, #tpu.memory_space<vmem>>, %arg10: memref<256x64xf32, #tpu.memory_space<vmem>>, %arg11: memref<256x64xf32, #tpu.memory_space<vmem>>, %arg12: memref<256x64xf32, #tpu.memory_space<vmem>>, %arg13: memref<!tpu.dma_semaphore, #tpu.memory_space<semaphore_mem>>, %arg14: memref<!tpu.dma_semaphore, #tpu.memory_space<semaphore_mem>>, %arg15: memref<!tpu.dma_semaphore, #tpu.memory_space<semaphore_mem>>, %arg16: memref<!tpu.dma_semaphore, #tpu.memory_space<semaphore_mem>>, %arg17: memref<!tpu.dma_semaphore, #tpu.memory_space<semaphore_mem>>, %arg18: memref<!tpu.dma_semaphore, #tpu.memory_space<semaphore_mem>>, %arg19: memref<!tpu.dma_semaphore, #tpu.memory_space<semaphore_mem>>, %arg20: memref<!tpu.dma_semaphore, #tpu.memory_space<semaphore_mem>>, %arg21: memref<!tpu.dma_semaphore, #tpu.memory_space<semaphore_mem>>, %arg22: memref<!tpu.dma_semaphore, #tpu.memory_space<semaphore_mem>>, %arg23: memref<!tpu.dma_semaphore, #tpu.memory_space<semaphore_mem>>, %arg24: memref<!tpu.dma_semaphore, #tpu.memory_space<semaphore_mem>>, %arg25: memref<!tpu.dma_semaphore, #tpu.memory_space<semaphore_mem>>, %arg26: memref<!tpu.dma_semaphore, #tpu.memory_space<semaphore_mem>>, %arg27: memref<!tpu.dma_semaphore, #tpu.memory_space<semaphore_mem>>) attributes {dimension_semantics = [#tpu.dimension_semantics<core_parallel>, #tpu.dimension_semantics<subcore_parallel>], iteration_bounds = array<i64: 2, 16>, scalar_prefetch = 0 : i64, scratch_operands = 22 : i64, tpu.core_type = #tpu.core_type<sc_vector_subcore>, window_params = [{transform_indices = #map}, {transform_indices = #map}, {transform_indices = #map}, {transform_indices = #map}]} {
    %mul3A = arith.constant 2 : i32
    %mul3A_0 = arith.muli %arg1, %mul3A : i32
    %add3A = arith.addi %mul3A_0, %arg0 : i32
    %mul3A_1 = arith.constant 100 : i32
    %mul3A_2 = arith.muli %add3A, %mul3A_1 : i32
    %mul3A_3 = arith.constant 256 : i32
    %mul3A_4 = arith.muli %mul3A_2, %mul3A_3 : i32
    %eq3A = arith.constant 0 : i32
    %eq3A_5 = arith.cmpi eq, %arg1, %eq3A : i32
    %convert_element_type3A = arith.extui %eq3A_5 : i1 to i32
    %cond3A = arith.constant 0 : i32
    %cond3A_6 = arith.cmpi ne, %convert_element_type3A, %cond3A : i32
    scf.if %cond3A_6 {
      "tpu.region"() ({
        %run_scoped3A = tpu.sem_alloc : memref<!tpu.dma_semaphore, #tpu.memory_space<semaphore_mem>>
        tpu.enqueue_dma source(%arg4 : memref<600x64xf32, #tpu.memory_space<hbm>>) target(%arg7 : memref<600x64xf32, #tpu.memory_space<vmem_shared>>) target_semaphore(%run_scoped3A : memref<!tpu.dma_semaphore, #tpu.memory_space<semaphore_mem>>)
        tpu.wait_dma2 semaphore(%run_scoped3A : memref<!tpu.dma_semaphore, #tpu.memory_space<semaphore_mem>>) src(%arg4 : memref<600x64xf32, #tpu.memory_space<hbm>>) dst(%arg7 : memref<600x64xf32, #tpu.memory_space<vmem_shared>>)
        tpu.yield
      }) : () -> ()
    } else {
    }
    %mul3A_7 = arith.constant 100 : i32
    %mul3A_8 = arith.muli %add3A, %mul3A_7 : i32
    %mul3A_9 = arith.constant 2 : i32
    %mul3A_10 = arith.muli %mul3A_8, %mul3A_9 : i32
    "tpu.region"() ({
      %run_scoped3A = tpu.sem_alloc : memref<!tpu.dma_semaphore, #tpu.memory_space<semaphore_mem>>
      %dma_start3A_119 = arith.constant 0 : i32
      %dma_start3A_120 = tpu.memref_slice %arg2[%mul3A_10, %dma_start3A_119] : memref<6400x128xi32, #tpu.memory_space<hbm>> -> memref<200x128xi32, #tpu.memory_space<hbm>>
      %dma_start3A_121 = arith.constant 0 : i32
      %dma_start3A_122 = tpu.memref_slice %arg2[%mul3A_10, %dma_start3A_121] : memref<6400x128xi32, #tpu.memory_space<hbm>> -> memref<200x128xi32, #tpu.memory_space<hbm>>
      tpu.enqueue_dma source(%dma_start3A_122 : memref<200x128xi32, #tpu.memory_space<hbm>>) target(%arg6 : memref<200x128xi32, #tpu.memory_space<vmem>>) target_semaphore(%run_scoped3A : memref<!tpu.dma_semaphore, #tpu.memory_space<semaphore_mem>>)
      %dma_wait3A_123 = arith.constant 0 : i32
      %dma_wait3A_124 = tpu.memref_slice %arg2[%mul3A_10, %dma_wait3A_123] : memref<6400x128xi32, #tpu.memory_space<hbm>> -> memref<200x128xi32, #tpu.memory_space<hbm>>
      %dma_wait3A_125 = arith.constant 0 : i32
      %dma_wait3A_126 = tpu.memref_slice %arg2[%mul3A_10, %dma_wait3A_125] : memref<6400x128xi32, #tpu.memory_space<hbm>> -> memref<200x128xi32, #tpu.memory_space<hbm>>
      tpu.wait_dma2 semaphore(%run_scoped3A : memref<!tpu.dma_semaphore, #tpu.memory_space<semaphore_mem>>) src(%dma_wait3A_126 : memref<200x128xi32, #tpu.memory_space<hbm>>) dst(%arg6 : memref<200x128xi32, #tpu.memory_space<vmem>>)
      tpu.yield
    }) : () -> ()
    %barrier3A = arith.constant 0 : index
    tpu.barrier barrier_id(%barrier3A)
    %add3A_11 = arith.constant 0 : i32
    %add3A_12 = arith.addi %mul3A_4, %add3A_11 : i32
    %rem3A = arith.constant 200 : i32
    %rem3A_13 = arith.remsi %add3A_12, %rem3A : i32
    %dma_start3A = arith.constant 0 : i32
    %dma_start3A_14 = tpu.memref_slice %arg7[%rem3A_13, %dma_start3A] : memref<600x64xf32, #tpu.memory_space<vmem_shared>> -> memref<256x64xf32, #tpu.memory_space<vmem_shared>>
    %dma_start3A_15 = arith.constant 0 : i32
    %dma_start3A_16 = tpu.memref_slice %arg7[%rem3A_13, %dma_start3A_15] : memref<600x64xf32, #tpu.memory_space<vmem_shared>> -> memref<256x64xf32, #tpu.memory_space<vmem_shared>>
    tpu.enqueue_dma source(%dma_start3A_16 : memref<256x64xf32, #tpu.memory_space<vmem_shared>>) target(%arg8 : memref<256x64xf32, #tpu.memory_space<vmem>>) target_semaphore(%arg13 : memref<!tpu.dma_semaphore, #tpu.memory_space<semaphore_mem>>)
    %add3A_17 = arith.constant 256 : i32
    %add3A_18 = arith.addi %mul3A_4, %add3A_17 : i32
    %rem3A_19 = arith.constant 200 : i32
    %rem3A_20 = arith.remsi %add3A_18, %rem3A_19 : i32
    %dma_start3A_21 = arith.constant 0 : i32
    %dma_start3A_22 = tpu.memref_slice %arg7[%rem3A_20, %dma_start3A_21] : memref<600x64xf32, #tpu.memory_space<vmem_shared>> -> memref<256x64xf32, #tpu.memory_space<vmem_shared>>
    %dma_start3A_23 = arith.constant 0 : i32
    %dma_start3A_24 = tpu.memref_slice %arg7[%rem3A_20, %dma_start3A_23] : memref<600x64xf32, #tpu.memory_space<vmem_shared>> -> memref<256x64xf32, #tpu.memory_space<vmem_shared>>
    tpu.enqueue_dma source(%dma_start3A_24 : memref<256x64xf32, #tpu.memory_space<vmem_shared>>) target(%arg9 : memref<256x64xf32, #tpu.memory_space<vmem>>) target_semaphore(%arg14 : memref<!tpu.dma_semaphore, #tpu.memory_space<semaphore_mem>>)
    %add3A_25 = arith.constant 512 : i32
    %add3A_26 = arith.addi %mul3A_4, %add3A_25 : i32
    %rem3A_27 = arith.constant 200 : i32
    %rem3A_28 = arith.remsi %add3A_26, %rem3A_27 : i32
    %dma_start3A_29 = arith.constant 0 : i32
    %dma_start3A_30 = tpu.memref_slice %arg7[%rem3A_28, %dma_start3A_29] : memref<600x64xf32, #tpu.memory_space<vmem_shared>> -> memref<256x64xf32, #tpu.memory_space<vmem_shared>>
    %dma_start3A_31 = arith.constant 0 : i32
    %dma_start3A_32 = tpu.memref_slice %arg7[%rem3A_28, %dma_start3A_31] : memref<600x64xf32, #tpu.memory_space<vmem_shared>> -> memref<256x64xf32, #tpu.memory_space<vmem_shared>>
    tpu.enqueue_dma source(%dma_start3A_32 : memref<256x64xf32, #tpu.memory_space<vmem_shared>>) target(%arg10 : memref<256x64xf32, #tpu.memory_space<vmem>>) target_semaphore(%arg15 : memref<!tpu.dma_semaphore, #tpu.memory_space<semaphore_mem>>)
    %dma_wait3A = arith.constant 0 : i32
    %dma_wait3A_33 = arith.constant 0 : i32
    %dma_wait3A_34 = tpu.memref_slice %arg7[%dma_wait3A, %dma_wait3A_33] : memref<600x64xf32, #tpu.memory_space<vmem_shared>> -> memref<256x64xf32, #tpu.memory_space<vmem_shared>>
    %dma_wait3A_35 = arith.constant 0 : i32
    %dma_wait3A_36 = arith.constant 0 : i32
    %dma_wait3A_37 = tpu.memref_slice %arg7[%dma_wait3A_35, %dma_wait3A_36] : memref<600x64xf32, #tpu.memory_space<vmem_shared>> -> memref<256x64xf32, #tpu.memory_space<vmem_shared>>
    tpu.wait_dma2 semaphore(%arg13 : memref<!tpu.dma_semaphore, #tpu.memory_space<semaphore_mem>>) src(%dma_wait3A_37 : memref<256x64xf32, #tpu.memory_space<vmem_shared>>) dst(%arg8 : memref<256x64xf32, #tpu.memory_space<vmem>>)
    %dma_start3A_38 = arith.constant 0 : i32
    %dma_start3A_39 = arith.constant 0 : i32
    %dma_start3A_40 = arith.constant 0 : i32
    %dma_start3A_41 = tpu.memref_slice %arg8[%dma_start3A_39, %dma_start3A_40] : memref<256x64xf32, #tpu.memory_space<vmem>> -> memref<128x64xf32, #tpu.memory_space<vmem>>
    %dma_start3A_42 = arith.constant 0 : i32
    %dma_start3A_43 = tpu.memref_slice %arg6[%dma_start3A_38, %dma_start3A_42] : memref<200x128xi32, #tpu.memory_space<vmem>> -> memref<1x128xi32, #tpu.memory_space<vmem>>
    %dma_start3A_44 = tpu.memref_squeeze %dma_start3A_43 : memref<1x128xi32, #tpu.memory_space<vmem>> -> memref<128xi32, #tpu.memory_space<vmem>>
    %dma_start3A_45 = arith.constant 0 : i32
    %dma_start3A_46 = arith.constant 0 : i32
    %dma_start3A_47 = tpu.memref_slice %arg3[%dma_start3A_45, %dma_start3A_46] : memref<1000000x64xf32, #tpu.memory_space<hbm>> -> memref<1000000x64xf32, #tpu.memory_space<hbm>>
    tpu.enqueue_indirect_dma source(%dma_start3A_47 : memref<1000000x64xf32, #tpu.memory_space<hbm>>) target(%dma_start3A_41 : memref<128x64xf32, #tpu.memory_space<vmem>>) offsets(%dma_start3A_44 : memref<128xi32, #tpu.memory_space<vmem>>) semaphore(%arg18 : memref<!tpu.dma_semaphore, #tpu.memory_space<semaphore_mem>>) {add = true}
    %dma_start3A_48 = arith.constant 1 : i32
    %dma_start3A_49 = arith.constant 128 : i32
    %dma_start3A_50 = arith.constant 0 : i32
    %dma_start3A_51 = tpu.memref_slice %arg8[%dma_start3A_49, %dma_start3A_50] : memref<256x64xf32, #tpu.memory_space<vmem>> -> memref<128x64xf32, #tpu.memory_space<vmem>>
    %dma_start3A_52 = arith.constant 0 : i32
    %dma_start3A_53 = tpu.memref_slice %arg6[%dma_start3A_48, %dma_start3A_52] : memref<200x128xi32, #tpu.memory_space<vmem>> -> memref<1x128xi32, #tpu.memory_space<vmem>>
    %dma_start3A_54 = tpu.memref_squeeze %dma_start3A_53 : memref<1x128xi32, #tpu.memory_space<vmem>> -> memref<128xi32, #tpu.memory_space<vmem>>
    %dma_start3A_55 = arith.constant 0 : i32
    %dma_start3A_56 = arith.constant 0 : i32
    %dma_start3A_57 = tpu.memref_slice %arg3[%dma_start3A_55, %dma_start3A_56] : memref<1000000x64xf32, #tpu.memory_space<hbm>> -> memref<1000000x64xf32, #tpu.memory_space<hbm>>
    tpu.enqueue_indirect_dma source(%dma_start3A_57 : memref<1000000x64xf32, #tpu.memory_space<hbm>>) target(%dma_start3A_51 : memref<128x64xf32, #tpu.memory_space<vmem>>) offsets(%dma_start3A_54 : memref<128xi32, #tpu.memory_space<vmem>>) semaphore(%arg18 : memref<!tpu.dma_semaphore, #tpu.memory_space<semaphore_mem>>) {add = true}
    %dma_wait3A_58 = arith.constant 0 : i32
    %dma_wait3A_59 = arith.constant 0 : i32
    %dma_wait3A_60 = tpu.memref_slice %arg7[%dma_wait3A_58, %dma_wait3A_59] : memref<600x64xf32, #tpu.memory_space<vmem_shared>> -> memref<256x64xf32, #tpu.memory_space<vmem_shared>>
    %dma_wait3A_61 = arith.constant 0 : i32
    %dma_wait3A_62 = arith.constant 0 : i32
    %dma_wait3A_63 = tpu.memref_slice %arg7[%dma_wait3A_61, %dma_wait3A_62] : memref<600x64xf32, #tpu.memory_space<vmem_shared>> -> memref<256x64xf32, #tpu.memory_space<vmem_shared>>
    tpu.wait_dma2 semaphore(%arg14 : memref<!tpu.dma_semaphore, #tpu.memory_space<semaphore_mem>>) src(%dma_wait3A_63 : memref<256x64xf32, #tpu.memory_space<vmem_shared>>) dst(%arg9 : memref<256x64xf32, #tpu.memory_space<vmem>>)
    %dma_start3A_64 = arith.constant 2 : i32
    %dma_start3A_65 = arith.constant 0 : i32
    %dma_start3A_66 = arith.constant 0 : i32
    %dma_start3A_67 = tpu.memref_slice %arg9[%dma_start3A_65, %dma_start3A_66] : memref<256x64xf32, #tpu.memory_space<vmem>> -> memref<128x64xf32, #tpu.memory_space<vmem>>
    %dma_start3A_68 = arith.constant 0 : i32
    %dma_start3A_69 = tpu.memref_slice %arg6[%dma_start3A_64, %dma_start3A_68] : memref<200x128xi32, #tpu.memory_space<vmem>> -> memref<1x128xi32, #tpu.memory_space<vmem>>
    %dma_start3A_70 = tpu.memref_squeeze %dma_start3A_69 : memref<1x128xi32, #tpu.memory_space<vmem>> -> memref<128xi32, #tpu.memory_space<vmem>>
    %dma_start3A_71 = arith.constant 0 : i32
    %dma_start3A_72 = arith.constant 0 : i32
    %dma_start3A_73 = tpu.memref_slice %arg3[%dma_start3A_71, %dma_start3A_72] : memref<1000000x64xf32, #tpu.memory_space<hbm>> -> memref<1000000x64xf32, #tpu.memory_space<hbm>>
    tpu.enqueue_indirect_dma source(%dma_start3A_73 : memref<1000000x64xf32, #tpu.memory_space<hbm>>) target(%dma_start3A_67 : memref<128x64xf32, #tpu.memory_space<vmem>>) offsets(%dma_start3A_70 : memref<128xi32, #tpu.memory_space<vmem>>) semaphore(%arg19 : memref<!tpu.dma_semaphore, #tpu.memory_space<semaphore_mem>>) {add = true}
    %dma_start3A_74 = arith.constant 3 : i32
    %dma_start3A_75 = arith.constant 128 : i32
    %dma_start3A_76 = arith.constant 0 : i32
    %dma_start3A_77 = tpu.memref_slice %arg9[%dma_start3A_75, %dma_start3A_76] : memref<256x64xf32, #tpu.memory_space<vmem>> -> memref<128x64xf32, #tpu.memory_space<vmem>>
    %dma_start3A_78 = arith.constant 0 : i32
    %dma_start3A_79 = tpu.memref_slice %arg6[%dma_start3A_74, %dma_start3A_78] : memref<200x128xi32, #tpu.memory_space<vmem>> -> memref<1x128xi32, #tpu.memory_space<vmem>>
    %dma_start3A_80 = tpu.memref_squeeze %dma_start3A_79 : memref<1x128xi32, #tpu.memory_space<vmem>> -> memref<128xi32, #tpu.memory_space<vmem>>
    %dma_start3A_81 = arith.constant 0 : i32
    %dma_start3A_82 = arith.constant 0 : i32
    %dma_start3A_83 = tpu.memref_slice %arg3[%dma_start3A_81, %dma_start3A_82] : memref<1000000x64xf32, #tpu.memory_space<hbm>> -> memref<1000000x64xf32, #tpu.memory_space<hbm>>
    tpu.enqueue_indirect_dma source(%dma_start3A_83 : memref<1000000x64xf32, #tpu.memory_space<hbm>>) target(%dma_start3A_77 : memref<128x64xf32, #tpu.memory_space<vmem>>) offsets(%dma_start3A_80 : memref<128xi32, #tpu.memory_space<vmem>>) semaphore(%arg19 : memref<!tpu.dma_semaphore, #tpu.memory_space<semaphore_mem>>) {add = true}
    %scan3A = arith.constant 0 : i32
    %scan3A_84 = arith.constant 0 : i32
    %scan3A_85 = arith.constant 20 : i32
    %scan3A_86 = arith.addi %scan3A_84, %scan3A_85 : i32
    %scan3A_87 = arith.constant 1 : i32
    scf.for %scan3A_119 = %scan3A_84 to %scan3A_86 step %scan3A_87  : i32 {
      %mul3A_120 = arith.constant 5 : i32
      %mul3A_121 = arith.muli %scan3A_119, %mul3A_120 : i32
      %add3A_122 = arith.constant 0 : i32
      %add3A_123 = arith.addi %mul3A_121, %add3A_122 : i32
      %add3A_124 = arith.constant 2 : i32
      %add3A_125 = arith.addi %add3A_123, %add3A_124 : i32
      %add3A_126 = arith.constant 1 : i32
      %add3A_127 = arith.addi %add3A_125, %add3A_126 : i32
      %add3A_128 = arith.constant 2 : i32
      %add3A_129 = arith.addi %add3A_123, %add3A_128 : i32
      %lt3A = arith.constant 100 : i32
      %lt3A_130 = arith.cmpi slt, %add3A_127, %lt3A : i32
      %convert_element_type3A_131 = arith.extui %lt3A_130 : i1 to i32
      %cond3A_132 = arith.constant 0 : i32
      %cond3A_133 = arith.cmpi ne, %convert_element_type3A_131, %cond3A_132 : i32
      scf.if %cond3A_133 {
        %ge3A = arith.constant 5 : i32
        %ge3A_280 = arith.cmpi sge, %add3A_127, %ge3A : i32
        %convert_element_type3A_281 = arith.extui %ge3A_280 : i1 to i32
        %cond3A_282 = arith.constant 0 : i32
        %cond3A_283 = arith.cmpi ne, %convert_element_type3A_281, %cond3A_282 : i32
        scf.if %cond3A_283 {
          %dma_wait3A_293 = arith.constant 0 : i32
          %dma_wait3A_294 = arith.constant 0 : i32
          %dma_wait3A_295 = tpu.memref_slice %arg5[%dma_wait3A_293, %dma_wait3A_294] : memref<819200x64xf32, #tpu.memory_space<hbm>> -> memref<256x64xf32, #tpu.memory_space<hbm>>
          %dma_wait3A_296 = arith.constant 0 : i32
          %dma_wait3A_297 = arith.constant 0 : i32
          %dma_wait3A_298 = tpu.memref_slice %arg5[%dma_wait3A_296, %dma_wait3A_297] : memref<819200x64xf32, #tpu.memory_space<hbm>> -> memref<256x64xf32, #tpu.memory_space<hbm>>
          tpu.wait_dma2 semaphore(%arg26 : memref<!tpu.dma_semaphore, #tpu.memory_space<semaphore_mem>>) src(%arg11 : memref<256x64xf32, #tpu.memory_space<vmem>>) dst(%dma_wait3A_298 : memref<256x64xf32, #tpu.memory_space<hbm>>)
        } else {
        }
        %mul3A_284 = arith.constant 256 : i32
        %mul3A_285 = arith.muli %add3A_127, %mul3A_284 : i32
        %add3A_286 = arith.addi %mul3A_4, %mul3A_285 : i32
        %rem3A_287 = arith.constant 200 : i32
        %rem3A_288 = arith.remsi %add3A_286, %rem3A_287 : i32
        %dma_start3A_289 = arith.constant 0 : i32
        %dma_start3A_290 = tpu.memref_slice %arg7[%rem3A_288, %dma_start3A_289] : memref<600x64xf32, #tpu.memory_space<vmem_shared>> -> memref<256x64xf32, #tpu.memory_space<vmem_shared>>
        %dma_start3A_291 = arith.constant 0 : i32
        %dma_start3A_292 = tpu.memref_slice %arg7[%rem3A_288, %dma_start3A_291] : memref<600x64xf32, #tpu.memory_space<vmem_shared>> -> memref<256x64xf32, #tpu.memory_space<vmem_shared>>
        tpu.enqueue_dma source(%dma_start3A_292 : memref<256x64xf32, #tpu.memory_space<vmem_shared>>) target(%arg11 : memref<256x64xf32, #tpu.memory_space<vmem>>) target_semaphore(%arg16 : memref<!tpu.dma_semaphore, #tpu.memory_space<semaphore_mem>>)
      } else {
      }
      %lt3A_134 = arith.constant 100 : i32
      %lt3A_135 = arith.cmpi slt, %add3A_129, %lt3A_134 : i32
      %convert_element_type3A_136 = arith.extui %lt3A_135 : i1 to i32
      %cond3A_137 = arith.constant 0 : i32
      %cond3A_138 = arith.cmpi ne, %convert_element_type3A_136, %cond3A_137 : i32
      scf.if %cond3A_138 {
        %dma_wait3A_280 = arith.constant 0 : i32
        %dma_wait3A_281 = arith.constant 0 : i32
        %dma_wait3A_282 = tpu.memref_slice %arg7[%dma_wait3A_280, %dma_wait3A_281] : memref<600x64xf32, #tpu.memory_space<vmem_shared>> -> memref<256x64xf32, #tpu.memory_space<vmem_shared>>
        %dma_wait3A_283 = arith.constant 0 : i32
        %dma_wait3A_284 = arith.constant 0 : i32
        %dma_wait3A_285 = tpu.memref_slice %arg7[%dma_wait3A_283, %dma_wait3A_284] : memref<600x64xf32, #tpu.memory_space<vmem_shared>> -> memref<256x64xf32, #tpu.memory_space<vmem_shared>>
        tpu.wait_dma2 semaphore(%arg15 : memref<!tpu.dma_semaphore, #tpu.memory_space<semaphore_mem>>) src(%dma_wait3A_285 : memref<256x64xf32, #tpu.memory_space<vmem_shared>>) dst(%arg10 : memref<256x64xf32, #tpu.memory_space<vmem>>)
        %mul3A_286 = arith.constant 2 : i32
        %mul3A_287 = arith.muli %add3A_129, %mul3A_286 : i32
        %add3A_288 = arith.constant 0 : i32
        %add3A_289 = arith.addi %mul3A_287, %add3A_288 : i32
        %dma_start3A_290 = arith.constant 0 : i32
        %dma_start3A_291 = arith.constant 0 : i32
        %dma_start3A_292 = tpu.memref_slice %arg10[%dma_start3A_290, %dma_start3A_291] : memref<256x64xf32, #tpu.memory_space<vmem>> -> memref<128x64xf32, #tpu.memory_space<vmem>>
        %dma_start3A_293 = arith.constant 0 : i32
        %dma_start3A_294 = tpu.memref_slice %arg6[%add3A_289, %dma_start3A_293] : memref<200x128xi32, #tpu.memory_space<vmem>> -> memref<1x128xi32, #tpu.memory_space<vmem>>
        %dma_start3A_295 = tpu.memref_squeeze %dma_start3A_294 : memref<1x128xi32, #tpu.memory_space<vmem>> -> memref<128xi32, #tpu.memory_space<vmem>>
        %dma_start3A_296 = arith.constant 0 : i32
        %dma_start3A_297 = arith.constant 0 : i32
        %dma_start3A_298 = tpu.memref_slice %arg3[%dma_start3A_296, %dma_start3A_297] : memref<1000000x64xf32, #tpu.memory_space<hbm>> -> memref<1000000x64xf32, #tpu.memory_space<hbm>>
        tpu.enqueue_indirect_dma source(%dma_start3A_298 : memref<1000000x64xf32, #tpu.memory_space<hbm>>) target(%dma_start3A_292 : memref<128x64xf32, #tpu.memory_space<vmem>>) offsets(%dma_start3A_295 : memref<128xi32, #tpu.memory_space<vmem>>) semaphore(%arg20 : memref<!tpu.dma_semaphore, #tpu.memory_space<semaphore_mem>>) {add = true}
        %mul3A_299 = arith.constant 2 : i32
        %mul3A_300 = arith.muli %add3A_129, %mul3A_299 : i32
        %add3A_301 = arith.constant 1 : i32
        %add3A_302 = arith.addi %mul3A_300, %add3A_301 : i32
        %dma_start3A_303 = arith.constant 128 : i32
        %dma_start3A_304 = arith.constant 0 : i32
        %dma_start3A_305 = tpu.memref_slice %arg10[%dma_start3A_303, %dma_start3A_304] : memref<256x64xf32, #tpu.memory_space<vmem>> -> memref<128x64xf32, #tpu.memory_space<vmem>>
        %dma_start3A_306 = arith.constant 0 : i32
        %dma_start3A_307 = tpu.memref_slice %arg6[%add3A_302, %dma_start3A_306] : memref<200x128xi32, #tpu.memory_space<vmem>> -> memref<1x128xi32, #tpu.memory_space<vmem>>
        %dma_start3A_308 = tpu.memref_squeeze %dma_start3A_307 : memref<1x128xi32, #tpu.memory_space<vmem>> -> memref<128xi32, #tpu.memory_space<vmem>>
        %dma_start3A_309 = arith.constant 0 : i32
        %dma_start3A_310 = arith.constant 0 : i32
        %dma_start3A_311 = tpu.memref_slice %arg3[%dma_start3A_309, %dma_start3A_310] : memref<1000000x64xf32, #tpu.memory_space<hbm>> -> memref<1000000x64xf32, #tpu.memory_space<hbm>>
        tpu.enqueue_indirect_dma source(%dma_start3A_311 : memref<1000000x64xf32, #tpu.memory_space<hbm>>) target(%dma_start3A_305 : memref<128x64xf32, #tpu.memory_space<vmem>>) offsets(%dma_start3A_308 : memref<128xi32, #tpu.memory_space<vmem>>) semaphore(%arg20 : memref<!tpu.dma_semaphore, #tpu.memory_space<semaphore_mem>>) {add = true}
      } else {
      }
      %dma_wait3A_139 = arith.constant 0 : i32
      %dma_wait3A_140 = arith.constant 0 : i32
      %dma_wait3A_141 = tpu.memref_slice %arg3[%dma_wait3A_139, %dma_wait3A_140] : memref<1000000x64xf32, #tpu.memory_space<hbm>> -> memref<256x64xf32, #tpu.memory_space<hbm>>
      %dma_wait3A_142 = arith.constant 0 : i32
      %dma_wait3A_143 = arith.constant 0 : i32
      %dma_wait3A_144 = tpu.memref_slice %arg3[%dma_wait3A_142, %dma_wait3A_143] : memref<1000000x64xf32, #tpu.memory_space<hbm>> -> memref<256x64xf32, #tpu.memory_space<hbm>>
      tpu.wait_dma2 semaphore(%arg18 : memref<!tpu.dma_semaphore, #tpu.memory_space<semaphore_mem>>) src(%dma_wait3A_144 : memref<256x64xf32, #tpu.memory_space<hbm>>) dst(%arg8 : memref<256x64xf32, #tpu.memory_space<vmem>>)
      %mul3A_145 = arith.constant 256 : i32
      %mul3A_146 = arith.muli %add3A_123, %mul3A_145 : i32
      %add3A_147 = arith.addi %mul3A_4, %mul3A_146 : i32
      %multiple_of3A = tpu.assume_multiple %add3A_147, 256 : i32
      %dma_start3A_148 = arith.constant 0 : i32
      %dma_start3A_149 = tpu.memref_slice %arg5[%multiple_of3A, %dma_start3A_148] : memref<819200x64xf32, #tpu.memory_space<hbm>> -> memref<256x64xf32, #tpu.memory_space<hbm>>
      %dma_start3A_150 = arith.constant 0 : i32
      %dma_start3A_151 = tpu.memref_slice %arg5[%multiple_of3A, %dma_start3A_150] : memref<819200x64xf32, #tpu.memory_space<hbm>> -> memref<256x64xf32, #tpu.memory_space<hbm>>
      tpu.enqueue_dma source(%arg8 : memref<256x64xf32, #tpu.memory_space<vmem>>) target(%dma_start3A_151 : memref<256x64xf32, #tpu.memory_space<hbm>>) target_semaphore(%arg23 : memref<!tpu.dma_semaphore, #tpu.memory_space<semaphore_mem>>)
      %add3A_152 = arith.constant 1 : i32
      %add3A_153 = arith.addi %mul3A_121, %add3A_152 : i32
      %add3A_154 = arith.constant 2 : i32
      %add3A_155 = arith.addi %add3A_153, %add3A_154 : i32
      %add3A_156 = arith.constant 1 : i32
      %add3A_157 = arith.addi %add3A_155, %add3A_156 : i32
      %add3A_158 = arith.constant 2 : i32
      %add3A_159 = arith.addi %add3A_153, %add3A_158 : i32
      %lt3A_160 = arith.constant 100 : i32
      %lt3A_161 = arith.cmpi slt, %add3A_157, %lt3A_160 : i32
      %convert_element_type3A_162 = arith.extui %lt3A_161 : i1 to i32
      %cond3A_163 = arith.constant 0 : i32
      %cond3A_164 = arith.cmpi ne, %convert_element_type3A_162, %cond3A_163 : i32
      scf.if %cond3A_164 {
        %ge3A = arith.constant 5 : i32
        %ge3A_280 = arith.cmpi sge, %add3A_157, %ge3A : i32
        %convert_element_type3A_281 = arith.extui %ge3A_280 : i1 to i32
        %cond3A_282 = arith.constant 0 : i32
        %cond3A_283 = arith.cmpi ne, %convert_element_type3A_281, %cond3A_282 : i32
        scf.if %cond3A_283 {
          %dma_wait3A_293 = arith.constant 0 : i32
          %dma_wait3A_294 = arith.constant 0 : i32
          %dma_wait3A_295 = tpu.memref_slice %arg5[%dma_wait3A_293, %dma_wait3A_294] : memref<819200x64xf32, #tpu.memory_space<hbm>> -> memref<256x64xf32, #tpu.memory_space<hbm>>
          %dma_wait3A_296 = arith.constant 0 : i32
          %dma_wait3A_297 = arith.constant 0 : i32
          %dma_wait3A_298 = tpu.memref_slice %arg5[%dma_wait3A_296, %dma_wait3A_297] : memref<819200x64xf32, #tpu.memory_space<hbm>> -> memref<256x64xf32, #tpu.memory_space<hbm>>
          tpu.wait_dma2 semaphore(%arg27 : memref<!tpu.dma_semaphore, #tpu.memory_space<semaphore_mem>>) src(%arg12 : memref<256x64xf32, #tpu.memory_space<vmem>>) dst(%dma_wait3A_298 : memref<256x64xf32, #tpu.memory_space<hbm>>)
        } else {
        }
        %mul3A_284 = arith.constant 256 : i32
        %mul3A_285 = arith.muli %add3A_157, %mul3A_284 : i32
        %add3A_286 = arith.addi %mul3A_4, %mul3A_285 : i32
        %rem3A_287 = arith.constant 200 : i32
        %rem3A_288 = arith.remsi %add3A_286, %rem3A_287 : i32
        %dma_start3A_289 = arith.constant 0 : i32
        %dma_start3A_290 = tpu.memref_slice %arg7[%rem3A_288, %dma_start3A_289] : memref<600x64xf32, #tpu.memory_space<vmem_shared>> -> memref<256x64xf32, #tpu.memory_space<vmem_shared>>
        %dma_start3A_291 = arith.constant 0 : i32
        %dma_start3A_292 = tpu.memref_slice %arg7[%rem3A_288, %dma_start3A_291] : memref<600x64xf32, #tpu.memory_space<vmem_shared>> -> memref<256x64xf32, #tpu.memory_space<vmem_shared>>
        tpu.enqueue_dma source(%dma_start3A_292 : memref<256x64xf32, #tpu.memory_space<vmem_shared>>) target(%arg12 : memref<256x64xf32, #tpu.memory_space<vmem>>) target_semaphore(%arg17 : memref<!tpu.dma_semaphore, #tpu.memory_space<semaphore_mem>>)
      } else {
      }
      %lt3A_165 = arith.constant 100 : i32
      %lt3A_166 = arith.cmpi slt, %add3A_159, %lt3A_165 : i32
      %convert_element_type3A_167 = arith.extui %lt3A_166 : i1 to i32
      %cond3A_168 = arith.constant 0 : i32
      %cond3A_169 = arith.cmpi ne, %convert_element_type3A_167, %cond3A_168 : i32
      scf.if %cond3A_169 {
        %dma_wait3A_280 = arith.constant 0 : i32
        %dma_wait3A_281 = arith.constant 0 : i32
        %dma_wait3A_282 = tpu.memref_slice %arg7[%dma_wait3A_280, %dma_wait3A_281] : memref<600x64xf32, #tpu.memory_space<vmem_shared>> -> memref<256x64xf32, #tpu.memory_space<vmem_shared>>
        %dma_wait3A_283 = arith.constant 0 : i32
        %dma_wait3A_284 = arith.constant 0 : i32
        %dma_wait3A_285 = tpu.memref_slice %arg7[%dma_wait3A_283, %dma_wait3A_284] : memref<600x64xf32, #tpu.memory_space<vmem_shared>> -> memref<256x64xf32, #tpu.memory_space<vmem_shared>>
        tpu.wait_dma2 semaphore(%arg16 : memref<!tpu.dma_semaphore, #tpu.memory_space<semaphore_mem>>) src(%dma_wait3A_285 : memref<256x64xf32, #tpu.memory_space<vmem_shared>>) dst(%arg11 : memref<256x64xf32, #tpu.memory_space<vmem>>)
        %mul3A_286 = arith.constant 2 : i32
        %mul3A_287 = arith.muli %add3A_159, %mul3A_286 : i32
        %add3A_288 = arith.constant 0 : i32
        %add3A_289 = arith.addi %mul3A_287, %add3A_288 : i32
        %dma_start3A_290 = arith.constant 0 : i32
        %dma_start3A_291 = arith.constant 0 : i32
        %dma_start3A_292 = tpu.memref_slice %arg11[%dma_start3A_290, %dma_start3A_291] : memref<256x64xf32, #tpu.memory_space<vmem>> -> memref<128x64xf32, #tpu.memory_space<vmem>>
        %dma_start3A_293 = arith.constant 0 : i32
        %dma_start3A_294 = tpu.memref_slice %arg6[%add3A_289, %dma_start3A_293] : memref<200x128xi32, #tpu.memory_space<vmem>> -> memref<1x128xi32, #tpu.memory_space<vmem>>
        %dma_start3A_295 = tpu.memref_squeeze %dma_start3A_294 : memref<1x128xi32, #tpu.memory_space<vmem>> -> memref<128xi32, #tpu.memory_space<vmem>>
        %dma_start3A_296 = arith.constant 0 : i32
        %dma_start3A_297 = arith.constant 0 : i32
        %dma_start3A_298 = tpu.memref_slice %arg3[%dma_start3A_296, %dma_start3A_297] : memref<1000000x64xf32, #tpu.memory_space<hbm>> -> memref<1000000x64xf32, #tpu.memory_space<hbm>>
        tpu.enqueue_indirect_dma source(%dma_start3A_298 : memref<1000000x64xf32, #tpu.memory_space<hbm>>) target(%dma_start3A_292 : memref<128x64xf32, #tpu.memory_space<vmem>>) offsets(%dma_start3A_295 : memref<128xi32, #tpu.memory_space<vmem>>) semaphore(%arg21 : memref<!tpu.dma_semaphore, #tpu.memory_space<semaphore_mem>>) {add = true}
        %mul3A_299 = arith.constant 2 : i32
        %mul3A_300 = arith.muli %add3A_159, %mul3A_299 : i32
        %add3A_301 = arith.constant 1 : i32
        %add3A_302 = arith.addi %mul3A_300, %add3A_301 : i32
        %dma_start3A_303 = arith.constant 128 : i32
        %dma_start3A_304 = arith.constant 0 : i32
        %dma_start3A_305 = tpu.memref_slice %arg11[%dma_start3A_303, %dma_start3A_304] : memref<256x64xf32, #tpu.memory_space<vmem>> -> memref<128x64xf32, #tpu.memory_space<vmem>>
        %dma_start3A_306 = arith.constant 0 : i32
        %dma_start3A_307 = tpu.memref_slice %arg6[%add3A_302, %dma_start3A_306] : memref<200x128xi32, #tpu.memory_space<vmem>> -> memref<1x128xi32, #tpu.memory_space<vmem>>
        %dma_start3A_308 = tpu.memref_squeeze %dma_start3A_307 : memref<1x128xi32, #tpu.memory_space<vmem>> -> memref<128xi32, #tpu.memory_space<vmem>>
        %dma_start3A_309 = arith.constant 0 : i32
        %dma_start3A_310 = arith.constant 0 : i32
        %dma_start3A_311 = tpu.memref_slice %arg3[%dma_start3A_309, %dma_start3A_310] : memref<1000000x64xf32, #tpu.memory_space<hbm>> -> memref<1000000x64xf32, #tpu.memory_space<hbm>>
        tpu.enqueue_indirect_dma source(%dma_start3A_311 : memref<1000000x64xf32, #tpu.memory_space<hbm>>) target(%dma_start3A_305 : memref<128x64xf32, #tpu.memory_space<vmem>>) offsets(%dma_start3A_308 : memref<128xi32, #tpu.memory_space<vmem>>) semaphore(%arg21 : memref<!tpu.dma_semaphore, #tpu.memory_space<semaphore_mem>>) {add = true}
      } else {
      }
      %dma_wait3A_170 = arith.constant 0 : i32
      %dma_wait3A_171 = arith.constant 0 : i32
      %dma_wait3A_172 = tpu.memref_slice %arg3[%dma_wait3A_170, %dma_wait3A_171] : memref<1000000x64xf32, #tpu.memory_space<hbm>> -> memref<256x64xf32, #tpu.memory_space<hbm>>
      %dma_wait3A_173 = arith.constant 0 : i32
      %dma_wait3A_174 = arith.constant 0 : i32
      %dma_wait3A_175 = tpu.memref_slice %arg3[%dma_wait3A_173, %dma_wait3A_174] : memref<1000000x64xf32, #tpu.memory_space<hbm>> -> memref<256x64xf32, #tpu.memory_space<hbm>>
      tpu.wait_dma2 semaphore(%arg19 : memref<!tpu.dma_semaphore, #tpu.memory_space<semaphore_mem>>) src(%dma_wait3A_175 : memref<256x64xf32, #tpu.memory_space<hbm>>) dst(%arg9 : memref<256x64xf32, #tpu.memory_space<vmem>>)
      %mul3A_176 = arith.constant 256 : i32
      %mul3A_177 = arith.muli %add3A_153, %mul3A_176 : i32
      %add3A_178 = arith.addi %mul3A_4, %mul3A_177 : i32
      %multiple_of3A_179 = tpu.assume_multiple %add3A_178, 256 : i32
      %dma_start3A_180 = arith.constant 0 : i32
      %dma_start3A_181 = tpu.memref_slice %arg5[%multiple_of3A_179, %dma_start3A_180] : memref<819200x64xf32, #tpu.memory_space<hbm>> -> memref<256x64xf32, #tpu.memory_space<hbm>>
      %dma_start3A_182 = arith.constant 0 : i32
      %dma_start3A_183 = tpu.memref_slice %arg5[%multiple_of3A_179, %dma_start3A_182] : memref<819200x64xf32, #tpu.memory_space<hbm>> -> memref<256x64xf32, #tpu.memory_space<hbm>>
      tpu.enqueue_dma source(%arg9 : memref<256x64xf32, #tpu.memory_space<vmem>>) target(%dma_start3A_183 : memref<256x64xf32, #tpu.memory_space<hbm>>) target_semaphore(%arg24 : memref<!tpu.dma_semaphore, #tpu.memory_space<semaphore_mem>>)
      %add3A_184 = arith.constant 2 : i32
      %add3A_185 = arith.addi %mul3A_121, %add3A_184 : i32
      %add3A_186 = arith.constant 2 : i32
      %add3A_187 = arith.addi %add3A_185, %add3A_186 : i32
      %add3A_188 = arith.constant 1 : i32
      %add3A_189 = arith.addi %add3A_187, %add3A_188 : i32
      %add3A_190 = arith.constant 2 : i32
      %add3A_191 = arith.addi %add3A_185, %add3A_190 : i32
      %lt3A_192 = arith.constant 100 : i32
      %lt3A_193 = arith.cmpi slt, %add3A_189, %lt3A_192 : i32
      %convert_element_type3A_194 = arith.extui %lt3A_193 : i1 to i32
      %cond3A_195 = arith.constant 0 : i32
      %cond3A_196 = arith.cmpi ne, %convert_element_type3A_194, %cond3A_195 : i32
      scf.if %cond3A_196 {
        %ge3A = arith.constant 5 : i32
        %ge3A_280 = arith.cmpi sge, %add3A_189, %ge3A : i32
        %convert_element_type3A_281 = arith.extui %ge3A_280 : i1 to i32
        %cond3A_282 = arith.constant 0 : i32
        %cond3A_283 = arith.cmpi ne, %convert_element_type3A_281, %cond3A_282 : i32
        scf.if %cond3A_283 {
          %dma_wait3A_293 = arith.constant 0 : i32
          %dma_wait3A_294 = arith.constant 0 : i32
          %dma_wait3A_295 = tpu.memref_slice %arg5[%dma_wait3A_293, %dma_wait3A_294] : memref<819200x64xf32, #tpu.memory_space<hbm>> -> memref<256x64xf32, #tpu.memory_space<hbm>>
          %dma_wait3A_296 = arith.constant 0 : i32
          %dma_wait3A_297 = arith.constant 0 : i32
          %dma_wait3A_298 = tpu.memref_slice %arg5[%dma_wait3A_296, %dma_wait3A_297] : memref<819200x64xf32, #tpu.memory_space<hbm>> -> memref<256x64xf32, #tpu.memory_space<hbm>>
          tpu.wait_dma2 semaphore(%arg23 : memref<!tpu.dma_semaphore, #tpu.memory_space<semaphore_mem>>) src(%arg8 : memref<256x64xf32, #tpu.memory_space<vmem>>) dst(%dma_wait3A_298 : memref<256x64xf32, #tpu.memory_space<hbm>>)
        } else {
        }
        %mul3A_284 = arith.constant 256 : i32
        %mul3A_285 = arith.muli %add3A_189, %mul3A_284 : i32
        %add3A_286 = arith.addi %mul3A_4, %mul3A_285 : i32
        %rem3A_287 = arith.constant 200 : i32
        %rem3A_288 = arith.remsi %add3A_286, %rem3A_287 : i32
        %dma_start3A_289 = arith.constant 0 : i32
        %dma_start3A_290 = tpu.memref_slice %arg7[%rem3A_288, %dma_start3A_289] : memref<600x64xf32, #tpu.memory_space<vmem_shared>> -> memref<256x64xf32, #tpu.memory_space<vmem_shared>>
        %dma_start3A_291 = arith.constant 0 : i32
        %dma_start3A_292 = tpu.memref_slice %arg7[%rem3A_288, %dma_start3A_291] : memref<600x64xf32, #tpu.memory_space<vmem_shared>> -> memref<256x64xf32, #tpu.memory_space<vmem_shared>>
        tpu.enqueue_dma source(%dma_start3A_292 : memref<256x64xf32, #tpu.memory_space<vmem_shared>>) target(%arg8 : memref<256x64xf32, #tpu.memory_space<vmem>>) target_semaphore(%arg13 : memref<!tpu.dma_semaphore, #tpu.memory_space<semaphore_mem>>)
      } else {
      }
      %lt3A_197 = arith.constant 100 : i32
      %lt3A_198 = arith.cmpi slt, %add3A_191, %lt3A_197 : i32
      %convert_element_type3A_199 = arith.extui %lt3A_198 : i1 to i32
      %cond3A_200 = arith.constant 0 : i32
      %cond3A_201 = arith.cmpi ne, %convert_element_type3A_199, %cond3A_200 : i32
      scf.if %cond3A_201 {
        %dma_wait3A_280 = arith.constant 0 : i32
        %dma_wait3A_281 = arith.constant 0 : i32
        %dma_wait3A_282 = tpu.memref_slice %arg7[%dma_wait3A_280, %dma_wait3A_281] : memref<600x64xf32, #tpu.memory_space<vmem_shared>> -> memref<256x64xf32, #tpu.memory_space<vmem_shared>>
        %dma_wait3A_283 = arith.constant 0 : i32
        %dma_wait3A_284 = arith.constant 0 : i32
        %dma_wait3A_285 = tpu.memref_slice %arg7[%dma_wait3A_283, %dma_wait3A_284] : memref<600x64xf32, #tpu.memory_space<vmem_shared>> -> memref<256x64xf32, #tpu.memory_space<vmem_shared>>
        tpu.wait_dma2 semaphore(%arg17 : memref<!tpu.dma_semaphore, #tpu.memory_space<semaphore_mem>>) src(%dma_wait3A_285 : memref<256x64xf32, #tpu.memory_space<vmem_shared>>) dst(%arg12 : memref<256x64xf32, #tpu.memory_space<vmem>>)
        %mul3A_286 = arith.constant 2 : i32
        %mul3A_287 = arith.muli %add3A_191, %mul3A_286 : i32
        %add3A_288 = arith.constant 0 : i32
        %add3A_289 = arith.addi %mul3A_287, %add3A_288 : i32
        %dma_start3A_290 = arith.constant 0 : i32
        %dma_start3A_291 = arith.constant 0 : i32
        %dma_start3A_292 = tpu.memref_slice %arg12[%dma_start3A_290, %dma_start3A_291] : memref<256x64xf32, #tpu.memory_space<vmem>> -> memref<128x64xf32, #tpu.memory_space<vmem>>
        %dma_start3A_293 = arith.constant 0 : i32
        %dma_start3A_294 = tpu.memref_slice %arg6[%add3A_289, %dma_start3A_293] : memref<200x128xi32, #tpu.memory_space<vmem>> -> memref<1x128xi32, #tpu.memory_space<vmem>>
        %dma_start3A_295 = tpu.memref_squeeze %dma_start3A_294 : memref<1x128xi32, #tpu.memory_space<vmem>> -> memref<128xi32, #tpu.memory_space<vmem>>
        %dma_start3A_296 = arith.constant 0 : i32
        %dma_start3A_297 = arith.constant 0 : i32
        %dma_start3A_298 = tpu.memref_slice %arg3[%dma_start3A_296, %dma_start3A_297] : memref<1000000x64xf32, #tpu.memory_space<hbm>> -> memref<1000000x64xf32, #tpu.memory_space<hbm>>
        tpu.enqueue_indirect_dma source(%dma_start3A_298 : memref<1000000x64xf32, #tpu.memory_space<hbm>>) target(%dma_start3A_292 : memref<128x64xf32, #tpu.memory_space<vmem>>) offsets(%dma_start3A_295 : memref<128xi32, #tpu.memory_space<vmem>>) semaphore(%arg22 : memref<!tpu.dma_semaphore, #tpu.memory_space<semaphore_mem>>) {add = true}
        %mul3A_299 = arith.constant 2 : i32
        %mul3A_300 = arith.muli %add3A_191, %mul3A_299 : i32
        %add3A_301 = arith.constant 1 : i32
        %add3A_302 = arith.addi %mul3A_300, %add3A_301 : i32
        %dma_start3A_303 = arith.constant 128 : i32
        %dma_start3A_304 = arith.constant 0 : i32
        %dma_start3A_305 = tpu.memref_slice %arg12[%dma_start3A_303, %dma_start3A_304] : memref<256x64xf32, #tpu.memory_space<vmem>> -> memref<128x64xf32, #tpu.memory_space<vmem>>
        %dma_start3A_306 = arith.constant 0 : i32
        %dma_start3A_307 = tpu.memref_slice %arg6[%add3A_302, %dma_start3A_306] : memref<200x128xi32, #tpu.memory_space<vmem>> -> memref<1x128xi32, #tpu.memory_space<vmem>>
        %dma_start3A_308 = tpu.memref_squeeze %dma_start3A_307 : memref<1x128xi32, #tpu.memory_space<vmem>> -> memref<128xi32, #tpu.memory_space<vmem>>
        %dma_start3A_309 = arith.constant 0 : i32
        %dma_start3A_310 = arith.constant 0 : i32
        %dma_start3A_311 = tpu.memref_slice %arg3[%dma_start3A_309, %dma_start3A_310] : memref<1000000x64xf32, #tpu.memory_space<hbm>> -> memref<1000000x64xf32, #tpu.memory_space<hbm>>
        tpu.enqueue_indirect_dma source(%dma_start3A_311 : memref<1000000x64xf32, #tpu.memory_space<hbm>>) target(%dma_start3A_305 : memref<128x64xf32, #tpu.memory_space<vmem>>) offsets(%dma_start3A_308 : memref<128xi32, #tpu.memory_space<vmem>>) semaphore(%arg22 : memref<!tpu.dma_semaphore, #tpu.memory_space<semaphore_mem>>) {add = true}
      } else {
      }
      %dma_wait3A_202 = arith.constant 0 : i32
      %dma_wait3A_203 = arith.constant 0 : i32
      %dma_wait3A_204 = tpu.memref_slice %arg3[%dma_wait3A_202, %dma_wait3A_203] : memref<1000000x64xf32, #tpu.memory_space<hbm>> -> memref<256x64xf32, #tpu.memory_space<hbm>>
      %dma_wait3A_205 = arith.constant 0 : i32
      %dma_wait3A_206 = arith.constant 0 : i32
      %dma_wait3A_207 = tpu.memref_slice %arg3[%dma_wait3A_205, %dma_wait3A_206] : memref<1000000x64xf32, #tpu.memory_space<hbm>> -> memref<256x64xf32, #tpu.memory_space<hbm>>
      tpu.wait_dma2 semaphore(%arg20 : memref<!tpu.dma_semaphore, #tpu.memory_space<semaphore_mem>>) src(%dma_wait3A_207 : memref<256x64xf32, #tpu.memory_space<hbm>>) dst(%arg10 : memref<256x64xf32, #tpu.memory_space<vmem>>)
      %mul3A_208 = arith.constant 256 : i32
      %mul3A_209 = arith.muli %add3A_185, %mul3A_208 : i32
      %add3A_210 = arith.addi %mul3A_4, %mul3A_209 : i32
      %multiple_of3A_211 = tpu.assume_multiple %add3A_210, 256 : i32
      %dma_start3A_212 = arith.constant 0 : i32
      %dma_start3A_213 = tpu.memref_slice %arg5[%multiple_of3A_211, %dma_start3A_212] : memref<819200x64xf32, #tpu.memory_space<hbm>> -> memref<256x64xf32, #tpu.memory_space<hbm>>
      %dma_start3A_214 = arith.constant 0 : i32
      %dma_start3A_215 = tpu.memref_slice %arg5[%multiple_of3A_211, %dma_start3A_214] : memref<819200x64xf32, #tpu.memory_space<hbm>> -> memref<256x64xf32, #tpu.memory_space<hbm>>
      tpu.enqueue_dma source(%arg10 : memref<256x64xf32, #tpu.memory_space<vmem>>) target(%dma_start3A_215 : memref<256x64xf32, #tpu.memory_space<hbm>>) target_semaphore(%arg25 : memref<!tpu.dma_semaphore, #tpu.memory_space<semaphore_mem>>)
      %add3A_216 = arith.constant 3 : i32
      %add3A_217 = arith.addi %mul3A_121, %add3A_216 : i32
      %add3A_218 = arith.constant 2 : i32
      %add3A_219 = arith.addi %add3A_217, %add3A_218 : i32
      %add3A_220 = arith.constant 1 : i32
      %add3A_221 = arith.addi %add3A_219, %add3A_220 : i32
      %add3A_222 = arith.constant 2 : i32
      %add3A_223 = arith.addi %add3A_217, %add3A_222 : i32
      %lt3A_224 = arith.constant 100 : i32
      %lt3A_225 = arith.cmpi slt, %add3A_221, %lt3A_224 : i32
      %convert_element_type3A_226 = arith.extui %lt3A_225 : i1 to i32
      %cond3A_227 = arith.constant 0 : i32
      %cond3A_228 = arith.cmpi ne, %convert_element_type3A_226, %cond3A_227 : i32
      scf.if %cond3A_228 {
        %ge3A = arith.constant 5 : i32
        %ge3A_280 = arith.cmpi sge, %add3A_221, %ge3A : i32
        %convert_element_type3A_281 = arith.extui %ge3A_280 : i1 to i32
        %cond3A_282 = arith.constant 0 : i32
        %cond3A_283 = arith.cmpi ne, %convert_element_type3A_281, %cond3A_282 : i32
        scf.if %cond3A_283 {
          %dma_wait3A_293 = arith.constant 0 : i32
          %dma_wait3A_294 = arith.constant 0 : i32
          %dma_wait3A_295 = tpu.memref_slice %arg5[%dma_wait3A_293, %dma_wait3A_294] : memref<819200x64xf32, #tpu.memory_space<hbm>> -> memref<256x64xf32, #tpu.memory_space<hbm>>
          %dma_wait3A_296 = arith.constant 0 : i32
          %dma_wait3A_297 = arith.constant 0 : i32
          %dma_wait3A_298 = tpu.memref_slice %arg5[%dma_wait3A_296, %dma_wait3A_297] : memref<819200x64xf32, #tpu.memory_space<hbm>> -> memref<256x64xf32, #tpu.memory_space<hbm>>
          tpu.wait_dma2 semaphore(%arg24 : memref<!tpu.dma_semaphore, #tpu.memory_space<semaphore_mem>>) src(%arg9 : memref<256x64xf32, #tpu.memory_space<vmem>>) dst(%dma_wait3A_298 : memref<256x64xf32, #tpu.memory_space<hbm>>)
        } else {
        }
        %mul3A_284 = arith.constant 256 : i32
        %mul3A_285 = arith.muli %add3A_221, %mul3A_284 : i32
        %add3A_286 = arith.addi %mul3A_4, %mul3A_285 : i32
        %rem3A_287 = arith.constant 200 : i32
        %rem3A_288 = arith.remsi %add3A_286, %rem3A_287 : i32
        %dma_start3A_289 = arith.constant 0 : i32
        %dma_start3A_290 = tpu.memref_slice %arg7[%rem3A_288, %dma_start3A_289] : memref<600x64xf32, #tpu.memory_space<vmem_shared>> -> memref<256x64xf32, #tpu.memory_space<vmem_shared>>
        %dma_start3A_291 = arith.constant 0 : i32
        %dma_start3A_292 = tpu.memref_slice %arg7[%rem3A_288, %dma_start3A_291] : memref<600x64xf32, #tpu.memory_space<vmem_shared>> -> memref<256x64xf32, #tpu.memory_space<vmem_shared>>
        tpu.enqueue_dma source(%dma_start3A_292 : memref<256x64xf32, #tpu.memory_space<vmem_shared>>) target(%arg9 : memref<256x64xf32, #tpu.memory_space<vmem>>) target_semaphore(%arg14 : memref<!tpu.dma_semaphore, #tpu.memory_space<semaphore_mem>>)
      } else {
      }
      %lt3A_229 = arith.constant 100 : i32
      %lt3A_230 = arith.cmpi slt, %add3A_223, %lt3A_229 : i32
      %convert_element_type3A_231 = arith.extui %lt3A_230 : i1 to i32
      %cond3A_232 = arith.constant 0 : i32
      %cond3A_233 = arith.cmpi ne, %convert_element_type3A_231, %cond3A_232 : i32
      scf.if %cond3A_233 {
        %dma_wait3A_280 = arith.constant 0 : i32
        %dma_wait3A_281 = arith.constant 0 : i32
        %dma_wait3A_282 = tpu.memref_slice %arg7[%dma_wait3A_280, %dma_wait3A_281] : memref<600x64xf32, #tpu.memory_space<vmem_shared>> -> memref<256x64xf32, #tpu.memory_space<vmem_shared>>
        %dma_wait3A_283 = arith.constant 0 : i32
        %dma_wait3A_284 = arith.constant 0 : i32
        %dma_wait3A_285 = tpu.memref_slice %arg7[%dma_wait3A_283, %dma_wait3A_284] : memref<600x64xf32, #tpu.memory_space<vmem_shared>> -> memref<256x64xf32, #tpu.memory_space<vmem_shared>>
        tpu.wait_dma2 semaphore(%arg13 : memref<!tpu.dma_semaphore, #tpu.memory_space<semaphore_mem>>) src(%dma_wait3A_285 : memref<256x64xf32, #tpu.memory_space<vmem_shared>>) dst(%arg8 : memref<256x64xf32, #tpu.memory_space<vmem>>)
        %mul3A_286 = arith.constant 2 : i32
        %mul3A_287 = arith.muli %add3A_223, %mul3A_286 : i32
        %add3A_288 = arith.constant 0 : i32
        %add3A_289 = arith.addi %mul3A_287, %add3A_288 : i32
        %dma_start3A_290 = arith.constant 0 : i32
        %dma_start3A_291 = arith.constant 0 : i32
        %dma_start3A_292 = tpu.memref_slice %arg8[%dma_start3A_290, %dma_start3A_291] : memref<256x64xf32, #tpu.memory_space<vmem>> -> memref<128x64xf32, #tpu.memory_space<vmem>>
        %dma_start3A_293 = arith.constant 0 : i32
        %dma_start3A_294 = tpu.memref_slice %arg6[%add3A_289, %dma_start3A_293] : memref<200x128xi32, #tpu.memory_space<vmem>> -> memref<1x128xi32, #tpu.memory_space<vmem>>
        %dma_start3A_295 = tpu.memref_squeeze %dma_start3A_294 : memref<1x128xi32, #tpu.memory_space<vmem>> -> memref<128xi32, #tpu.memory_space<vmem>>
        %dma_start3A_296 = arith.constant 0 : i32
        %dma_start3A_297 = arith.constant 0 : i32
        %dma_start3A_298 = tpu.memref_slice %arg3[%dma_start3A_296, %dma_start3A_297] : memref<1000000x64xf32, #tpu.memory_space<hbm>> -> memref<1000000x64xf32, #tpu.memory_space<hbm>>
        tpu.enqueue_indirect_dma source(%dma_start3A_298 : memref<1000000x64xf32, #tpu.memory_space<hbm>>) target(%dma_start3A_292 : memref<128x64xf32, #tpu.memory_space<vmem>>) offsets(%dma_start3A_295 : memref<128xi32, #tpu.memory_space<vmem>>) semaphore(%arg18 : memref<!tpu.dma_semaphore, #tpu.memory_space<semaphore_mem>>) {add = true}
        %mul3A_299 = arith.constant 2 : i32
        %mul3A_300 = arith.muli %add3A_223, %mul3A_299 : i32
        %add3A_301 = arith.constant 1 : i32
        %add3A_302 = arith.addi %mul3A_300, %add3A_301 : i32
        %dma_start3A_303 = arith.constant 128 : i32
        %dma_start3A_304 = arith.constant 0 : i32
        %dma_start3A_305 = tpu.memref_slice %arg8[%dma_start3A_303, %dma_start3A_304] : memref<256x64xf32, #tpu.memory_space<vmem>> -> memref<128x64xf32, #tpu.memory_space<vmem>>
        %dma_start3A_306 = arith.constant 0 : i32
        %dma_start3A_307 = tpu.memref_slice %arg6[%add3A_302, %dma_start3A_306] : memref<200x128xi32, #tpu.memory_space<vmem>> -> memref<1x128xi32, #tpu.memory_space<vmem>>
        %dma_start3A_308 = tpu.memref_squeeze %dma_start3A_307 : memref<1x128xi32, #tpu.memory_space<vmem>> -> memref<128xi32, #tpu.memory_space<vmem>>
        %dma_start3A_309 = arith.constant 0 : i32
        %dma_start3A_310 = arith.constant 0 : i32
        %dma_start3A_311 = tpu.memref_slice %arg3[%dma_start3A_309, %dma_start3A_310] : memref<1000000x64xf32, #tpu.memory_space<hbm>> -> memref<1000000x64xf32, #tpu.memory_space<hbm>>
        tpu.enqueue_indirect_dma source(%dma_start3A_311 : memref<1000000x64xf32, #tpu.memory_space<hbm>>) target(%dma_start3A_305 : memref<128x64xf32, #tpu.memory_space<vmem>>) offsets(%dma_start3A_308 : memref<128xi32, #tpu.memory_space<vmem>>) semaphore(%arg18 : memref<!tpu.dma_semaphore, #tpu.memory_space<semaphore_mem>>) {add = true}
      } else {
      }
      %dma_wait3A_234 = arith.constant 0 : i32
      %dma_wait3A_235 = arith.constant 0 : i32
      %dma_wait3A_236 = tpu.memref_slice %arg3[%dma_wait3A_234, %dma_wait3A_235] : memref<1000000x64xf32, #tpu.memory_space<hbm>> -> memref<256x64xf32, #tpu.memory_space<hbm>>
      %dma_wait3A_237 = arith.constant 0 : i32
      %dma_wait3A_238 = arith.constant 0 : i32
      %dma_wait3A_239 = tpu.memref_slice %arg3[%dma_wait3A_237, %dma_wait3A_238] : memref<1000000x64xf32, #tpu.memory_space<hbm>> -> memref<256x64xf32, #tpu.memory_space<hbm>>
      tpu.wait_dma2 semaphore(%arg21 : memref<!tpu.dma_semaphore, #tpu.memory_space<semaphore_mem>>) src(%dma_wait3A_239 : memref<256x64xf32, #tpu.memory_space<hbm>>) dst(%arg11 : memref<256x64xf32, #tpu.memory_space<vmem>>)
      %mul3A_240 = arith.constant 256 : i32
      %mul3A_241 = arith.muli %add3A_217, %mul3A_240 : i32
      %add3A_242 = arith.addi %mul3A_4, %mul3A_241 : i32
      %multiple_of3A_243 = tpu.assume_multiple %add3A_242, 256 : i32
      %dma_start3A_244 = arith.constant 0 : i32
      %dma_start3A_245 = tpu.memref_slice %arg5[%multiple_of3A_243, %dma_start3A_244] : memref<819200x64xf32, #tpu.memory_space<hbm>> -> memref<256x64xf32, #tpu.memory_space<hbm>>
      %dma_start3A_246 = arith.constant 0 : i32
      %dma_start3A_247 = tpu.memref_slice %arg5[%multiple_of3A_243, %dma_start3A_246] : memref<819200x64xf32, #tpu.memory_space<hbm>> -> memref<256x64xf32, #tpu.memory_space<hbm>>
      tpu.enqueue_dma source(%arg11 : memref<256x64xf32, #tpu.memory_space<vmem>>) target(%dma_start3A_247 : memref<256x64xf32, #tpu.memory_space<hbm>>) target_semaphore(%arg26 : memref<!tpu.dma_semaphore, #tpu.memory_space<semaphore_mem>>)
      %add3A_248 = arith.constant 4 : i32
      %add3A_249 = arith.addi %mul3A_121, %add3A_248 : i32
      %add3A_250 = arith.constant 2 : i32
      %add3A_251 = arith.addi %add3A_249, %add3A_250 : i32
      %add3A_252 = arith.constant 1 : i32
      %add3A_253 = arith.addi %add3A_251, %add3A_252 : i32
      %add3A_254 = arith.constant 2 : i32
      %add3A_255 = arith.addi %add3A_249, %add3A_254 : i32
      %lt3A_256 = arith.constant 100 : i32
      %lt3A_257 = arith.cmpi slt, %add3A_253, %lt3A_256 : i32
      %convert_element_type3A_258 = arith.extui %lt3A_257 : i1 to i32
      %cond3A_259 = arith.constant 0 : i32
      %cond3A_260 = arith.cmpi ne, %convert_element_type3A_258, %cond3A_259 : i32
      scf.if %cond3A_260 {
        %ge3A = arith.constant 5 : i32
        %ge3A_280 = arith.cmpi sge, %add3A_253, %ge3A : i32
        %convert_element_type3A_281 = arith.extui %ge3A_280 : i1 to i32
        %cond3A_282 = arith.constant 0 : i32
        %cond3A_283 = arith.cmpi ne, %convert_element_type3A_281, %cond3A_282 : i32
        scf.if %cond3A_283 {
          %dma_wait3A_293 = arith.constant 0 : i32
          %dma_wait3A_294 = arith.constant 0 : i32
          %dma_wait3A_295 = tpu.memref_slice %arg5[%dma_wait3A_293, %dma_wait3A_294] : memref<819200x64xf32, #tpu.memory_space<hbm>> -> memref<256x64xf32, #tpu.memory_space<hbm>>
          %dma_wait3A_296 = arith.constant 0 : i32
          %dma_wait3A_297 = arith.constant 0 : i32
          %dma_wait3A_298 = tpu.memref_slice %arg5[%dma_wait3A_296, %dma_wait3A_297] : memref<819200x64xf32, #tpu.memory_space<hbm>> -> memref<256x64xf32, #tpu.memory_space<hbm>>
          tpu.wait_dma2 semaphore(%arg25 : memref<!tpu.dma_semaphore, #tpu.memory_space<semaphore_mem>>) src(%arg10 : memref<256x64xf32, #tpu.memory_space<vmem>>) dst(%dma_wait3A_298 : memref<256x64xf32, #tpu.memory_space<hbm>>)
        } else {
        }
        %mul3A_284 = arith.constant 256 : i32
        %mul3A_285 = arith.muli %add3A_253, %mul3A_284 : i32
        %add3A_286 = arith.addi %mul3A_4, %mul3A_285 : i32
        %rem3A_287 = arith.constant 200 : i32
        %rem3A_288 = arith.remsi %add3A_286, %rem3A_287 : i32
        %dma_start3A_289 = arith.constant 0 : i32
        %dma_start3A_290 = tpu.memref_slice %arg7[%rem3A_288, %dma_start3A_289] : memref<600x64xf32, #tpu.memory_space<vmem_shared>> -> memref<256x64xf32, #tpu.memory_space<vmem_shared>>
        %dma_start3A_291 = arith.constant 0 : i32
        %dma_start3A_292 = tpu.memref_slice %arg7[%rem3A_288, %dma_start3A_291] : memref<600x64xf32, #tpu.memory_space<vmem_shared>> -> memref<256x64xf32, #tpu.memory_space<vmem_shared>>
        tpu.enqueue_dma source(%dma_start3A_292 : memref<256x64xf32, #tpu.memory_space<vmem_shared>>) target(%arg10 : memref<256x64xf32, #tpu.memory_space<vmem>>) target_semaphore(%arg15 : memref<!tpu.dma_semaphore, #tpu.memory_space<semaphore_mem>>)
      } else {
      }
      %lt3A_261 = arith.constant 100 : i32
      %lt3A_262 = arith.cmpi slt, %add3A_255, %lt3A_261 : i32
      %convert_element_type3A_263 = arith.extui %lt3A_262 : i1 to i32
      %cond3A_264 = arith.constant 0 : i32
      %cond3A_265 = arith.cmpi ne, %convert_element_type3A_263, %cond3A_264 : i32
      scf.if %cond3A_265 {
        %dma_wait3A_280 = arith.constant 0 : i32
        %dma_wait3A_281 = arith.constant 0 : i32
        %dma_wait3A_282 = tpu.memref_slice %arg7[%dma_wait3A_280, %dma_wait3A_281] : memref<600x64xf32, #tpu.memory_space<vmem_shared>> -> memref<256x64xf32, #tpu.memory_space<vmem_shared>>
        %dma_wait3A_283 = arith.constant 0 : i32
        %dma_wait3A_284 = arith.constant 0 : i32
        %dma_wait3A_285 = tpu.memref_slice %arg7[%dma_wait3A_283, %dma_wait3A_284] : memref<600x64xf32, #tpu.memory_space<vmem_shared>> -> memref<256x64xf32, #tpu.memory_space<vmem_shared>>
        tpu.wait_dma2 semaphore(%arg14 : memref<!tpu.dma_semaphore, #tpu.memory_space<semaphore_mem>>) src(%dma_wait3A_285 : memref<256x64xf32, #tpu.memory_space<vmem_shared>>) dst(%arg9 : memref<256x64xf32, #tpu.memory_space<vmem>>)
        %mul3A_286 = arith.constant 2 : i32
        %mul3A_287 = arith.muli %add3A_255, %mul3A_286 : i32
        %add3A_288 = arith.constant 0 : i32
        %add3A_289 = arith.addi %mul3A_287, %add3A_288 : i32
        %dma_start3A_290 = arith.constant 0 : i32
        %dma_start3A_291 = arith.constant 0 : i32
        %dma_start3A_292 = tpu.memref_slice %arg9[%dma_start3A_290, %dma_start3A_291] : memref<256x64xf32, #tpu.memory_space<vmem>> -> memref<128x64xf32, #tpu.memory_space<vmem>>
        %dma_start3A_293 = arith.constant 0 : i32
        %dma_start3A_294 = tpu.memref_slice %arg6[%add3A_289, %dma_start3A_293] : memref<200x128xi32, #tpu.memory_space<vmem>> -> memref<1x128xi32, #tpu.memory_space<vmem>>
        %dma_start3A_295 = tpu.memref_squeeze %dma_start3A_294 : memref<1x128xi32, #tpu.memory_space<vmem>> -> memref<128xi32, #tpu.memory_space<vmem>>
        %dma_start3A_296 = arith.constant 0 : i32
        %dma_start3A_297 = arith.constant 0 : i32
        %dma_start3A_298 = tpu.memref_slice %arg3[%dma_start3A_296, %dma_start3A_297] : memref<1000000x64xf32, #tpu.memory_space<hbm>> -> memref<1000000x64xf32, #tpu.memory_space<hbm>>
        tpu.enqueue_indirect_dma source(%dma_start3A_298 : memref<1000000x64xf32, #tpu.memory_space<hbm>>) target(%dma_start3A_292 : memref<128x64xf32, #tpu.memory_space<vmem>>) offsets(%dma_start3A_295 : memref<128xi32, #tpu.memory_space<vmem>>) semaphore(%arg19 : memref<!tpu.dma_semaphore, #tpu.memory_space<semaphore_mem>>) {add = true}
        %mul3A_299 = arith.constant 2 : i32
        %mul3A_300 = arith.muli %add3A_255, %mul3A_299 : i32
        %add3A_301 = arith.constant 1 : i32
        %add3A_302 = arith.addi %mul3A_300, %add3A_301 : i32
        %dma_start3A_303 = arith.constant 128 : i32
        %dma_start3A_304 = arith.constant 0 : i32
        %dma_start3A_305 = tpu.memref_slice %arg9[%dma_start3A_303, %dma_start3A_304] : memref<256x64xf32, #tpu.memory_space<vmem>> -> memref<128x64xf32, #tpu.memory_space<vmem>>
        %dma_start3A_306 = arith.constant 0 : i32
        %dma_start3A_307 = tpu.memref_slice %arg6[%add3A_302, %dma_start3A_306] : memref<200x128xi32, #tpu.memory_space<vmem>> -> memref<1x128xi32, #tpu.memory_space<vmem>>
        %dma_start3A_308 = tpu.memref_squeeze %dma_start3A_307 : memref<1x128xi32, #tpu.memory_space<vmem>> -> memref<128xi32, #tpu.memory_space<vmem>>
        %dma_start3A_309 = arith.constant 0 : i32
        %dma_start3A_310 = arith.constant 0 : i32
        %dma_start3A_311 = tpu.memref_slice %arg3[%dma_start3A_309, %dma_start3A_310] : memref<1000000x64xf32, #tpu.memory_space<hbm>> -> memref<1000000x64xf32, #tpu.memory_space<hbm>>
        tpu.enqueue_indirect_dma source(%dma_start3A_311 : memref<1000000x64xf32, #tpu.memory_space<hbm>>) target(%dma_start3A_305 : memref<128x64xf32, #tpu.memory_space<vmem>>) offsets(%dma_start3A_308 : memref<128xi32, #tpu.memory_space<vmem>>) semaphore(%arg19 : memref<!tpu.dma_semaphore, #tpu.memory_space<semaphore_mem>>) {add = true}
      } else {
      }
      %dma_wait3A_266 = arith.constant 0 : i32
      %dma_wait3A_267 = arith.constant 0 : i32
      %dma_wait3A_268 = tpu.memref_slice %arg3[%dma_wait3A_266, %dma_wait3A_267] : memref<1000000x64xf32, #tpu.memory_space<hbm>> -> memref<256x64xf32, #tpu.memory_space<hbm>>
      %dma_wait3A_269 = arith.constant 0 : i32
      %dma_wait3A_270 = arith.constant 0 : i32
      %dma_wait3A_271 = tpu.memref_slice %arg3[%dma_wait3A_269, %dma_wait3A_270] : memref<1000000x64xf32, #tpu.memory_space<hbm>> -> memref<256x64xf32, #tpu.memory_space<hbm>>
      tpu.wait_dma2 semaphore(%arg22 : memref<!tpu.dma_semaphore, #tpu.memory_space<semaphore_mem>>) src(%dma_wait3A_271 : memref<256x64xf32, #tpu.memory_space<hbm>>) dst(%arg12 : memref<256x64xf32, #tpu.memory_space<vmem>>)
      %mul3A_272 = arith.constant 256 : i32
      %mul3A_273 = arith.muli %add3A_249, %mul3A_272 : i32
      %add3A_274 = arith.addi %mul3A_4, %mul3A_273 : i32
      %multiple_of3A_275 = tpu.assume_multiple %add3A_274, 256 : i32
      %dma_start3A_276 = arith.constant 0 : i32
      %dma_start3A_277 = tpu.memref_slice %arg5[%multiple_of3A_275, %dma_start3A_276] : memref<819200x64xf32, #tpu.memory_space<hbm>> -> memref<256x64xf32, #tpu.memory_space<hbm>>
      %dma_start3A_278 = arith.constant 0 : i32
      %dma_start3A_279 = tpu.memref_slice %arg5[%multiple_of3A_275, %dma_start3A_278] : memref<819200x64xf32, #tpu.memory_space<hbm>> -> memref<256x64xf32, #tpu.memory_space<hbm>>
      tpu.enqueue_dma source(%arg12 : memref<256x64xf32, #tpu.memory_space<vmem>>) target(%dma_start3A_279 : memref<256x64xf32, #tpu.memory_space<hbm>>) target_semaphore(%arg27 : memref<!tpu.dma_semaphore, #tpu.memory_space<semaphore_mem>>)
    }
    %scan3A_88 = arith.constant 20 : i32
    %dma_wait3A_89 = arith.constant 0 : i32
    %dma_wait3A_90 = arith.constant 0 : i32
    %dma_wait3A_91 = tpu.memref_slice %arg5[%dma_wait3A_89, %dma_wait3A_90] : memref<819200x64xf32, #tpu.memory_space<hbm>> -> memref<256x64xf32, #tpu.memory_space<hbm>>
    %dma_wait3A_92 = arith.constant 0 : i32
    %dma_wait3A_93 = arith.constant 0 : i32
    %dma_wait3A_94 = tpu.memref_slice %arg5[%dma_wait3A_92, %dma_wait3A_93] : memref<819200x64xf32, #tpu.memory_space<hbm>> -> memref<256x64xf32, #tpu.memory_space<hbm>>
    tpu.wait_dma2 semaphore(%arg23 : memref<!tpu.dma_semaphore, #tpu.memory_space<semaphore_mem>>) src(%arg8 : memref<256x64xf32, #tpu.memory_space<vmem>>) dst(%dma_wait3A_94 : memref<256x64xf32, #tpu.memory_space<hbm>>)
    %dma_wait3A_95 = arith.constant 0 : i32
    %dma_wait3A_96 = arith.constant 0 : i32
    %dma_wait3A_97 = tpu.memref_slice %arg5[%dma_wait3A_95, %dma_wait3A_96] : memref<819200x64xf32, #tpu.memory_space<hbm>> -> memref<256x64xf32, #tpu.memory_space<hbm>>
    %dma_wait3A_98 = arith.constant 0 : i32
    %dma_wait3A_99 = arith.constant 0 : i32
    %dma_wait3A_100 = tpu.memref_slice %arg5[%dma_wait3A_98, %dma_wait3A_99] : memref<819200x64xf32, #tpu.memory_space<hbm>> -> memref<256x64xf32, #tpu.memory_space<hbm>>
    tpu.wait_dma2 semaphore(%arg24 : memref<!tpu.dma_semaphore, #tpu.memory_space<semaphore_mem>>) src(%arg9 : memref<256x64xf32, #tpu.memory_space<vmem>>) dst(%dma_wait3A_100 : memref<256x64xf32, #tpu.memory_space<hbm>>)
    %dma_wait3A_101 = arith.constant 0 : i32
    %dma_wait3A_102 = arith.constant 0 : i32
    %dma_wait3A_103 = tpu.memref_slice %arg5[%dma_wait3A_101, %dma_wait3A_102] : memref<819200x64xf32, #tpu.memory_space<hbm>> -> memref<256x64xf32, #tpu.memory_space<hbm>>
    %dma_wait3A_104 = arith.constant 0 : i32
    %dma_wait3A_105 = arith.constant 0 : i32
    %dma_wait3A_106 = tpu.memref_slice %arg5[%dma_wait3A_104, %dma_wait3A_105] : memref<819200x64xf32, #tpu.memory_space<hbm>> -> memref<256x64xf32, #tpu.memory_space<hbm>>
    tpu.wait_dma2 semaphore(%arg25 : memref<!tpu.dma_semaphore, #tpu.memory_space<semaphore_mem>>) src(%arg10 : memref<256x64xf32, #tpu.memory_space<vmem>>) dst(%dma_wait3A_106 : memref<256x64xf32, #tpu.memory_space<hbm>>)
    %dma_wait3A_107 = arith.constant 0 : i32
    %dma_wait3A_108 = arith.constant 0 : i32
    %dma_wait3A_109 = tpu.memref_slice %arg5[%dma_wait3A_107, %dma_wait3A_108] : memref<819200x64xf32, #tpu.memory_space<hbm>> -> memref<256x64xf32, #tpu.memory_space<hbm>>
    %dma_wait3A_110 = arith.constant 0 : i32
    %dma_wait3A_111 = arith.constant 0 : i32
    %dma_wait3A_112 = tpu.memref_slice %arg5[%dma_wait3A_110, %dma_wait3A_111] : memref<819200x64xf32, #tpu.memory_space<hbm>> -> memref<256x64xf32, #tpu.memory_space<hbm>>
    tpu.wait_dma2 semaphore(%arg26 : memref<!tpu.dma_semaphore, #tpu.memory_space<semaphore_mem>>) src(%arg11 : memref<256x64xf32, #tpu.memory_space<vmem>>) dst(%dma_wait3A_112 : memref<256x64xf32, #tpu.memory_space<hbm>>)
    %dma_wait3A_113 = arith.constant 0 : i32
    %dma_wait3A_114 = arith.constant 0 : i32
    %dma_wait3A_115 = tpu.memref_slice %arg5[%dma_wait3A_113, %dma_wait3A_114] : memref<819200x64xf32, #tpu.memory_space<hbm>> -> memref<256x64xf32, #tpu.memory_space<hbm>>
    %dma_wait3A_116 = arith.constant 0 : i32
    %dma_wait3A_117 = arith.constant 0 : i32
    %dma_wait3A_118 = tpu.memref_slice %arg5[%dma_wait3A_116, %dma_wait3A_117] : memref<819200x64xf32, #tpu.memory_space<hbm>> -> memref<256x64xf32, #tpu.memory_space<hbm>>
    tpu.wait_dma2 semaphore(%arg27 : memref<!tpu.dma_semaphore, #tpu.memory_space<semaphore_mem>>) src(%arg12 : memref<256x64xf32, #tpu.memory_space<vmem>>) dst(%dma_wait3A_118 : memref<256x64xf32, #tpu.memory_space<hbm>>)
    return
  }
}

</mosaic_0001>

<sc_bundles>
// kernel: kernel.3.cloned.1.call-start
scs
__scs_entry_jumppad:
0x0: {  	(pc) =	sbr.rel $0x88, $3  }
0x1: {  	(tag) =	ssettag $0x0;
	lr =	simm.s32 $0x1  }
0x2: {  	[smem:$0x3F9E] =	sst lr;
	_ =	strace $0xD0000000  }
0x3: {  	_ = 	snop  }
0x4: {  	_ = 	snop  }
0x5: {  	_ = 	snop  }
0x6: {  	_ = 	snop  }
0x7: {  	_ = 	snop  }
__scs_overlays_trampoline_lowered:
0x8: {  	[smem:$0x3FAD] =	sst s0  }
0x9: {  	[smem:$0x3FAE] =	sst s1  }
0xa: {  	[smem:$0x3FAF] =	sst s2  }
0xb: {  	[smem:$0x3FB0] =	sst s3  }
0xc: {  	[smem:$0x3FB1] =	sst s4  }
0xd: {  	[smem:$0x3FB2] =	sst s5  }
0xe: {  	[smem:$0x3FB3] =	sst s6  }
0xf: {  	[smem:$0x3FB4] =	sst s7  }
0x10: {  	[smem:$0x3FB5] =	sst s8  }
0x11: {  	[smem:$0x3FB6] =	sst s9;
	s0 =	simm.s32 @!p0 $0x0  }
0x12: {  	s1 =	sld [smem:$0x3F9C];
	s0 =	simm.s32 @p0 $0x1  }
0x13: {  	[smem:$0x3FB7] =	sst s0;
	s0 =	simm.s32 @!p1 $0x0  }
0x14: {  	s2 =	sld [smem:$0x3F9B];
	s0 =	simm.s32 @p1 $0x1  }
0x15: {  	[smem:$0x3FB8] =	sst s0;
	s0 =	simm.s32 @!p2 $0x0  }
0x16: {  	s3 =	sld [smem:$0x3FDB];
	s0 =	simm.s32 @p2 $0x1  }
0x17: {  	s4 =	simm.s32 $0x1BF5;
	[smem:$0x3FBA] =	sst s0  }
0x18: {  	s0 =	sld [smem:$0x3F9D];
	_ =	swait.ge [sflag:s4], $0x0  }
0x19: {  	s7 =	sld [smem:$0x3F9E]  }
0x1a: {  	s8 =	sadd.s32 $0xFFFFE003, lr  }
0x1b: {  	s9 =	sadd.s32 $0xFFFFFEF7, lr;
	s5 =	simm.s32 $0xFFFFFFFF;
	p2 =	slt.u32 s8, $0xFFFFF086  }
0x1c: {  	p1 =	slt.u32 s9, $0xF7A;
	s5 =	simm.s32 @!p2 $0x0  }
0x1d: {  	s5 =	simm.s32 @p1 $0x1;
	p0 =	seq.s32 s7, s2  }
0x1e: {  	s7 =	smul.u32 @!p0 $0xF7A, s2;
	p2 =	seq.s32 @!p0 s5, $0x0  }
0x1f: {  	s9 =	smul.u32 $0xF7A, s1;
	s8 =	simm.s32 @!p0 $0x1BF5;
	p2 =	por !p2, p0  }
0x20: {  	[sflag:s8] =	ssyncset.s32 @!p0 $0xFFFFF086;
	s6 =	sadd.s32 @!p0 s3, s7;
	s7 =	simm.s32 @!p0 $0x108  }
0x21: {  	s3 =	sadd.s32 s3, s9;
	s6 =	sadd.s32 @!p0 $0x88, s6;
	s7 =	simm.s32 @p2 $0x1082  }
0x22: {  	[simem:s7], [sflag:s8] =	dma.local @!p0 [hbm:s6], $0xF7A  }
0x23: {  	s9 =	sor.u32 $0xD0000000, s2;
	s6 =	simm.s32 $0x108;
	_ =	swait.ge @!p0 [sflag:s8], $0x0  }
0x24: {  	s3 =	sadd.s32 $0x88, s3;
	s6 =	simm.s32 @!p1 $0x1082;
	[sflag:s4] =	ssyncset.s32 $0xFFFFF086  }
0x25: {  	[simem:s6], [sflag:s4] =	dma.local [hbm:s3], $0xF7A  }
0x26: {  	[smem:$0x3F9E] =	sst s1;
	(tag) =	ssettag s2;
	_ =	strace s9  }
0x27: {  	s1 =	sld [smem:$0x3FAE]  }
0x28: {  	s2 =	sld [smem:$0x3FAF]  }
0x29: {  	s4 =	sld [smem:$0x3FB1]  }
0x2a: {  	p0 =	seq.s32 s5, $0x0;
	s5 =	sld [smem:$0x3FB2]  }
0x2b: {  	s6 =	sld [smem:$0x3FB3]  }
0x2c: {  	s7 =	sld [smem:$0x3FB4]  }
0x2d: {  	s3 =	simm.s32 $0x108;
	s8 =	sld [smem:$0x3FB5]  }
0x2e: {  	s3 =	simm.s32 @!p0 $0x1082;
	s9 =	sld [smem:$0x3FB6]  }
0x2f: {  	lr =	sadd.s32 s0, s3;
	s0 =	sld [smem:$0x3FAD]  }
0x30: {  	s3 =	sld [smem:$0x3FB0]  }
0x31: {  	[smem:$0x3FB9] =	sst s10  }
0x32: {  	s10 =	sld [smem:$0x3FB7];
	_ =	sdelay $0x3  }
0x33: {  	p0 =	seq.s32 s10, $0x1;
	s10 =	sld [smem:$0x3FB9];
	_ =	sdelay $0x3  }
0x34: {  	[smem:$0x3FB9] =	sst s10  }
0x35: {  	s10 =	sld [smem:$0x3FB8];
	_ =	sdelay $0x3  }
0x36: {  	p1 =	seq.s32 s10, $0x1;
	s10 =	sld [smem:$0x3FB9];
	_ =	sdelay $0x3  }
0x37: {  	[smem:$0x3FB9] =	sst s10  }
0x38: {  	s10 =	sld [smem:$0x3FBA]  }
0x39: {  	_ = 	snop;
	(pc) =	sbr.ind lr, $3  }
0x3a: {  	_ = 	snop  }
0x3b: {  	_ = 	snop  }
0x3c: {  	p2 =	seq.s32 s10, $0x1;
	s10 =	sld [smem:$0x3FB9]  }
0x3d: {  	_ =	shalt  }
0x3e: {  	_ =	shalt  }
0x3f: {  	_ =	shalt  }
0x40: {  	_ =	shalt  }
0x41: {  	_ =	shalt  }
0x42: {  	_ =	shalt  }
0x43: {  	_ =	shalt  }
0x44: {  	_ =	shalt  }
0x45: {  	_ =	shalt  }
0x46: {  	_ =	shalt  }
0x47: {  	_ =	shalt  }
0x48: {  	_ =	shalt  }
0x49: {  	_ =	shalt  }
0x4a: {  	_ =	shalt  }
0x4b: {  	_ =	shalt  }
0x4c: {  	_ =	shalt  }
0x4d: {  	_ =	shalt  }
0x4e: {  	_ =	shalt  }
0x4f: {  	_ =	shalt  }
0x50: {  	_ =	shalt  }
0x51: {  	_ =	shalt  }
0x52: {  	_ =	shalt  }
0x53: {  	_ =	shalt  }
0x54: {  	_ =	shalt  }
0x55: {  	_ =	shalt  }
0x56: {  	_ =	shalt  }
0x57: {  	_ =	shalt  }
0x58: {  	_ =	shalt  }
0x59: {  	_ =	shalt  }
0x5a: {  	_ =	shalt  }
0x5b: {  	_ =	shalt  }
0x5c: {  	_ =	shalt  }
0x5d: {  	_ =	shalt  }
0x5e: {  	_ =	shalt  }
0x5f: {  	_ =	shalt  }
0x60: {  	_ =	shalt  }
0x61: {  	_ =	shalt  }
0x62: {  	_ =	shalt  }
0x63: {  	_ =	shalt  }
0x64: {  	_ =	shalt  }
0x65: {  	_ =	shalt  }
0x66: {  	_ =	shalt  }
0x67: {  	_ =	shalt  }
0x68: {  	_ =	shalt  }
0x69: {  	_ =	shalt  }
0x6a: {  	_ =	shalt  }
0x6b: {  	_ =	shalt  }
0x6c: {  	_ =	shalt  }
0x6d: {  	_ =	shalt  }
0x6e: {  	_ =	shalt  }
0x6f: {  	_ =	shalt  }
0x70: {  	_ =	shalt  }
0x71: {  	_ =	shalt  }
0x72: {  	_ =	shalt  }
0x73: {  	_ =	shalt  }
0x74: {  	_ =	shalt  }
0x75: {  	_ =	shalt  }
0x76: {  	_ =	shalt  }
0x77: {  	_ =	shalt  }
0x78: {  	_ =	shalt  }
0x79: {  	_ =	shalt  }
0x7a: {  	_ =	shalt  }
0x7b: {  	_ =	shalt  }
0x7c: {  	_ =	shalt  }
0x7d: {  	_ =	shalt  }
0x7e: {  	_ =	shalt  }
0x7f: {  	_ =	shalt  }
0x80: {  	_ =	shalt  }
0x81: {  	_ =	shalt  }
0x82: {  	_ =	shalt  }
0x83: {  	_ =	shalt  }
0x84: {  	_ =	shalt  }
0x85: {  	_ =	shalt  }
0x86: {  	_ =	shalt  }
0x87: {  	_ =	shalt  }
.Lfunc_end0:
.L_simem_size_0:
called_computation.1_lowered:
.L_overlay_start_0:
0x88: {  	s2 =	sld [smem:$0x3FD9]  }
0x89: {  	s3 =	sld [smem:$0x3FFE];
	_ =	sdelay $0x1  }
0x8a: {  	s1 =	srdreg.scid  }
0x8b: {  	s0 =	sand.u32 $0x1, s1  }
0x8c: {  	s17 =	sshll.u32 s0, $0xA;
	s2 =	sadd.s32 s3, s2  }
0x8d: {  	s2 =	sadd.s32 s2, s17  }
0x8e: {  	[smem:$0x3FC5] =	sst s2  }
0x8f: {  	_ = 	snop  }
0x90: {  	s2 =	sld [smem:$0x3FD0];
	(tm) =	ssettm $0x1  }
0x91: {  	s18 =	sld [smem:$0x3FFB];
	_ =	sdelay $0x3  }
0x92: {  	_ =	strace s18  }
0x93: {  	s3 =	sld [smem:$0x3FFC];
	_ =	sdelay $0x3  }
0x94: {  	_ =	strace s3  }
0x95: {  	s3 =	sld [smem:$0x3FFD];
	_ =	sdelay $0x3  }
0x96: {  	_ =	strace s3  }
0x97: {  	_ =	strace $0x8FFFFFFF  }
0x98: {  	s19 =	sld [smem:$0x3FDB];
	_ =	sdelay $0x1  }
0x99: {  	s4 =	simm.s32 $_scs_section_size  }
0x9a: {  	s5 =	simm.s32 $_size__tile_overlayer_lowered;
	s6 =	simm.s32 $_tile_overlayer_lowered  }
0x9b: {  	s22 =	simm.s32 $0x1BFF;
	s21 =	sshll.u32 s6, $0x1;
	s3 =	sadd.s32 s4, s19  }
0x9c: {  	s7 =	simm.s32 $0x0;
	s20 =	sshll.u32 s5, $0x1;
	s5 =	sadd.s32 s21, s3  }
0x9d: {  	[timem:s7], [sflag:s22] =	dma.local [hbm:s5], s20  }
0x9e: {  	_ =	swait.ge [sflag:s22], s20  }
0x9f: {  	s4 =	ssub.s32 $0x0, s20;
	[sflag:s22] =	ssyncset.done $0x0  }
0xa0: {  	[sflag:s22] =	ssyncadd.s32 s4;
	_ =	sdelay $0x1  }
0xa1: {  	s23 =	simm.s32 $0x1B8B  }
0xa2: {  	_ =	swait.ge [sflag:s23], $0x1  }
0xa3: {  	[sflag:s23] =	ssyncset.done $0x0  }
0xa4: {  	s25 =	simm.s32 $0x1B8E;
	s24 =	sld [smem:$0x3FFE];
	[sflag:s23] =	ssyncadd.s32 $0xFFFFFFFF  }
0xa5: {  	s26 =	simm.s32 $execute0_lowered;
	[smem:$0x3FD2] =	sst s25  }
0xa6: {  	s5 =	sshll.u32 s26, $0x1;
	_ =	strace $0x80000046;
	[dreg:$0x1] =	wrdreg $0xFFFFFFFF  }
0xa7: {  	s28 =	simm.s32 $_size_execute0_lowered;
	s3 =	sadd.s32 s3, s5;
	[dreg:$0x0] =	wrdreg $0x0  }
0xa8: {  	s5 =	sshll.u32 s28, $0x1;
	[dreg:$0x2] =	wrdreg s3  }
0xa9: {  	[dreg:$0x3] =	wrdreg s5  }
0xaa: {  	[dreg:$0x4] =	wrdreg $0xC0  }
0xab: {  	_ =	task [dreg:s7], $0x5FFFF  }
0xac: {  	[dreg:$0x1] =	wrdreg $0xFFFFFFFF  }
0xad: {  	[dreg:$0x0] =	wrdreg $0x60  }
0xae: {  	[dreg:$0x2] =	wrdreg s24  }
0xaf: {  	[dreg:$0x3] =	wrdreg s2  }
0xb0: {  	[dreg:$0x4] =	wrdreg $0x64000  }
0xb1: {  	[dreg:$0x5] =	wrdreg $0x9  }
0xb2: {  	_ =	task.clear_ibuf [dreg:s7], $0x6FFFF;
	_ =	strace $0x90000046  }
0xb3: {  	s29 =	simm.s32 $0x9;
	_ =	strace $0x80000048  }
0xb4: {  	_ =	swait.ge [sflag:s29], $0x1  }
0xb5: {  	[sflag:s29] =	ssyncadd.s32 $0xFFFFFFFF  }
0xb6: {  	_ =	strace $0x90000048  }
0xb7: {  	_ =	sfence  }
0xb8: {  	s30 =	sld [smem:$0x0];
	_ =	sdelay $0x2  }
0xb9: {  	s31 =	sshll.u32 s1, $0xD;
	s1 =	sshrl.u32 s1, $0x2  }
0xba: {  	s3 =	sand.u32 $0x4000, s31;
	s1 =	sadd.s32 s1, s30  }
0xbb: {  	s0 =	sor.u32 s3, s0;
	s1 =	sshll.u32 s1, $0x11  }
0xbc: {  	s0 =	sor.u32 s1, s0  }
0xbd: {  	s0 =	sadd.s32 $0x8F2B, s0  }
0xbe: {  	[sflag:s0] =	ssyncadd.remote.s32 $0x1  }
0xbf: {  	_ =	sfence.sel $0xFFFF  }
0xc0: {  	[dreg:$0x0] =	wrdreg $0xFFFFFFFF;
	(pc) =	sbr.abs _section_cstart, $3  }
0xc1: {  	[dreg:$0x1] =	wrdreg $0xFFFFFFFF  }
0xc2: {  	_ =	task.clear_ibuf [dreg:s7], $0x2FFFF;
	_ =	strace $0x9FFFFFFF  }
0xc3: {  	(tm) =	ssettm $0x7FFFFFFF  }
tec
execute0_lowered:
.L_overlay_start_1:
0x0: {  	(tag) =	ssettag $0x1  }
0x1: {  	s1 =	rddreg [dreg:$0x0];
	s2 =	srdreg.scid  }
0x2: {  	s0 =	stileid.u32;
	s4 =	rddreg [dreg:$0x1]  }
0x3: {  	s13 =	rddreg [dreg:$0x2];
	s22 =	simm.s32 $0x0;
	s25 =	smul.u32 $0xC80000, s0  }
0x4: {  	s31 =	simm.s32 $0x6D60;
	s5 =	sand.u32 $0x1, s2;
	s28 =	smul.u32 $0xC800, s0  }
0x5: {  	s29 =	simm.s32 $0x8;
	s21 =	sshll.u32 s0, $0x1;
	s26 =	smul.u32 $0x640000, s5  }
0x6: {  	[smem:$0x7FF] =	sst s22;
	s3 =	sor.u32 s5, s21;
	s2 =	smul.u32 $0x6400, s5  }
0x7: {  	p0 =	sne.s32 s0, $0x0;
	s10 =	ssub.s32 $0x2, s5;
	s6 =	smul.u32 $0x6400, s3  }
0x8: {  	_ =	strace $0x80000047;
	s3 =	smul.u32 $0xC80, s3;
	s12 =	sshrl.u32 s10, $0x1  }
0x9: {  	s23 =	ssub.s32 s10, s12;
	s30 =	sadd.s32 s26, s25;
	s7 =	sor.u32 $0x100, s6  }
0xa: {  	s26 =	simm.s32 $0x10D60;
	s6 =	sor.u32 $0x200, s6;
	s8 =	smulhi.u32 $0x147AE15, s7  }
0xb: {  	s9 =	sadd.s32 s3, s1;
	s3 =	sadd.s32 $0xF43000, s1;
	s11 =	smulhi.u32 $0x147AE15, s6  }
0xc: {  	s1 =	sadd.s32 $0x19C00, s1;
	[dreg:$0x4] =	wrdreg s26;
	s8 =	smul.u32 $0xC8, s8  }
0xd: {  	[dreg:$0x7] =	wrdreg s1;
	s9 =	sadd.s32 $0xC00, s9;
	s24 =	smul.u32 $0xC8, s11  }
0xe: {  	s1 =	smax.u32 s23, $0x1;
	[dreg:$0x8] =	wrdreg s9;
	s7 =	ssub.s32 s7, s8  }
0xf: {  	[dreg:$0xb] =	wrdreg s1;
	s6 =	ssub.s32 s6, s24;
	s7 =	sshll.u32 s7, $0x6  }
0x10: {  	s9 =	smul.u32 $0x64000, s0;
	s6 =	sshll.u32 s6, $0x6;
	s7 =	sadd.s32 s7, s13  }
0x11: {  	s10 =	simm.s32 $0x4;
	s6 =	sadd.s32 s6, s13;
	[dreg:$0x9] =	wrdreg s7  }
0x12: {  	s11 =	smul.u32 $0x320000, s0;
	s15 =	sadd.s32 s9, s4;
	[dreg:$0xa] =	wrdreg s6  }
0x13: {  	s6 =	sadd.s32 $0x70000, s30;
	s7 =	sadd.s32 s2, s28;
	s28 =	simm.s32 $0x14D60  }
0x14: {  	s30 =	simm.s32 $0x18D60;
	s2 =	simm.s32 $0x6;
	[dreg:$0x5] =	wrdreg s28  }
0x15: {  	s1 =	sshrl.u32 s6, $0x2;
	s14 =	sadd.s32 $0x700, s7;
	[dreg:$0x6] =	wrdreg s30  }
0x16: {  	s12 =	sshll.u32 s7, $0x3;
	s17 =	sadd.s32 $0x600, s7;
	[dreg:$0xd] =	wrdreg s14  }
0x17: {  	s19 =	sadd.s32 $0x500, s7;
	s23 =	sadd.s32 $0x400, s7;
	[dreg:$0x10] =	wrdreg s17  }
0x18: {  	s25 =	sor.u32 $0x300, s7;
	s6 =	simm.s32 $0xAD60;
	[dreg:$0x11] =	wrdreg s19  }
0x19: {  	s1 =	sadd.s32 s1, s13;
	s13 =	smul.u32 $0x190000, s5;
	[dreg:$0x13] =	wrdreg s23  }
0x1a: {  	s7 =	simm.s32 $0xED60;
	s5 =	smul.u32 $0x32000, s5;
	[dreg:$0x16] =	wrdreg s25  }
0x1b: {  	s25 =	simm.s32 $0x80;
	[dreg:$0xc] =	wrdreg s1;
	s1 =	sadd.s32 s12, s4  }
0x1c: {  	s12 =	simm.s32 $0x5;
	s1 =	sadd.s32 $0x800, s1;
	s16 =	sadd.s32 s13, s11  }
0x1d: {  	[dreg:$0xe] =	wrdreg s1;
	s1 =	sadd.s32 s5, s15;
	s18 =	sadd.s32 $0x10000, s16  }
0x1e: {  	s20 =	sor.u32 $0x8000, s16;
	[dreg:$0xf] =	wrdreg s1;
	s1 =	sshrl.u32 s18, $0x3  }
0x1f: {  	s22 =	sor.u32 $0xC000, s16;
	s21 =	sshrl.u32 s20, $0x3;
	s1 =	sadd.s32 s1, s4  }
0x20: {  	s24 =	sshrl.u32 s22, $0x3;
	[dreg:$0x12] =	wrdreg s1;
	s1 =	sadd.s32 s21, s4  }
0x21: {  	s11 =	simm.s32 $0x7;
	[dreg:$0x14] =	wrdreg s1;
	s1 =	sadd.s32 s24, s4  }
0x22: {  	s5 =	simm.s32 $0x3;
	s4 =	simm.s32 $0x0;
	[dreg:$0x15] =	wrdreg s1  }
.LBB2_1:
0x23: {  	[dreg:$0x17] =	wrdreg s4  }
0x24: {  	s1 =	rddreg [dreg:$0x2]  }
0x25: {  	s8 =	simm.s32 @!p0 $0x1C10;
	s4 =	rddreg [dreg:$0x7];
	s0 =	sshrl.u32 @!p0 s1, $0x3  }
0x26: {  	[spmem:s0], [sflag:s8] =	dma.local @!p0 [hbm:s4], $0x12C0  }
0x27: {  	s0 =	simm.s32 @!p0 $0x10  }
0x28: {  	_ =	swait.ge @!p0 [sflag:s0], $0x12C0  }
0x29: {  	s13 =	simm.s32 $0x0;
	[sflag:s0] =	ssyncset.done @!p0 $0x0  }
0x2a: {  	s8 =	simm.s32 $0x10;
	s4 =	rddreg [dreg:$0x8];
	[sflag:s0] =	ssyncadd.s32 @!p0 $0xFFFFED40  }
0x2b: {  	[tilespmem:s13], [sflag:$0x10] =	stream.linear.gather [hbm4b:s4+s13], $0x6400, $0x38;
	[tilespmem:$0x1AD60] =	vst v63  }
0x2c: {  	_ =	swait.ge [sflag:s8], $0x6400  }
0x2d: {  	[sflag:s8] =	ssyncset.done $0x0  }
0x2e: {  	[sflag:s8] =	ssyncadd.s32 $0xFFFF9C00  }
0x2f: {  	[bflag:$0x0] =	sbarrier.arrive $0xFFFF  }
0x30: {  	[tilespmem:s31], [sflag:$0x1] =	stream.linear.gather [spmem:s1], $0x4000, $0x38;
	[tilespmem:$0x1AD60] =	vst v63  }
0x31: {  	s9 =	rddreg [dreg:$0x9]  }
0x32: {  	[tilespmem:s6], [sflag:$0x2] =	stream.linear.gather [spmem:s9], $0x4000, $0x38;
	[tilespmem:$0x1AD60] =	vst v63  }
0x33: {  	s15 =	simm.s32 $0x1;
	s14 =	rddreg [dreg:$0xa]  }
0x34: {  	[tilespmem:s7], [sflag:$0x3] =	stream.linear.gather [spmem:s14], $0x4000, $0x38;
	[tilespmem:$0x1AD60] =	vst v63  }
0x35: {  	_ =	swait.ge [sflag:s15], $0x4000  }
0x36: {  	[sflag:s15] =	ssyncset.done $0x0  }
0x37: {  	[sflag:s15] =	ssyncadd.s32 $0xFFFFC000  }
0x38: {  	[tilespmem:s31], [sflag:$0x6] =	stream.indirect.gather.add.f32 [hbm:s3], $0x40, s13, s25, $0xb8;
	[tilespmem:$0x1AD60] =	vst v63  }
0x39: {  	s16 =	simm.s32 $0x8D60;
	s17 =	simm.s32 $0x2  }
0x3a: {  	[tilespmem:s16], [sflag:$0x6] =	stream.indirect.gather.add.f32 [hbm:s3], $0x40, s25, s25, $0xb8;
	[tilespmem:$0x1AD60] =	vst v63  }
0x3b: {  	_ =	swait.ge [sflag:s17], $0x4000  }
0x3c: {  	s18 =	simm.s32 $0x100;
	[sflag:s17] =	ssyncset.done $0x0;
	s16 =	rddreg [dreg:$0x16]  }
0x3d: {  	s20 =	simm.s32 $0x180;
	[sflag:s17] =	ssyncadd.s32 $0xFFFFC000;
	s19 =	smulhi.u32 $0x51EB851F, s16  }
0x3e: {  	[tilespmem:s6], [sflag:$0x7] =	stream.indirect.gather.add.f32 [hbm:s3], $0x40, s18, s25, $0xb8;
	[tilespmem:$0x1AD60] =	vst v63  }
0x3f: {  	s21 =	simm.s32 $0xCD60;
	p1 =	por $0x1, $0x1;
	s0 =	sshrl.u32 s19, $0x6  }
0x40: {  	[tilespmem:s21], [sflag:$0x7] =	stream.indirect.gather.add.f32 [hbm:s3], $0x40, s20, s25, $0xb8;
	[tilespmem:$0x1AD60] =	vst v63  }
0x41: {  	s8 =	simm.s32 @!p1 $0xE;
	s0 =	smul.u32 $0xFFFF3800, s0  }
0x42: {  	_ =	swait.ge @!p1 [sflag:s8], $0x4000  }
0x43: {  	s0 =	sshra.s32 s0, $0x2;
	s1 =	rddreg [dreg:$0xc]  }
0x44: {  	[sflag:s8] =	ssyncset.done @!p1 $0x0;
	s0 =	sadd.s32 s0, s1  }
0x45: {  	s22 =	simm.s32 $0x12D60;
	[sflag:s8] =	ssyncadd.s32 @!p1 $0xFFFFC000;
	s0 =	sadd.s32 $0xFFFF0000, s0  }
0x46: {  	[tilespmem:s22], [sflag:$0x4] =	stream.linear.gather [spmem:s0], $0x4000, $0x38;
	[tilespmem:$0x1AD60] =	vst v63  }
0x47: {  	_ =	swait.ge [sflag:s5], $0x4000  }
0x48: {  	[sflag:s5] =	ssyncset.done $0x0  }
0x49: {  	s23 =	simm.s32 $0x200;
	s14 =	rddreg [dreg:$0x13];
	[sflag:s5] =	ssyncadd.s32 $0xFFFFC000  }
0x4a: {  	[tilespmem:s7], [sflag:$0x8] =	stream.indirect.gather.add.f32 [hbm:s3], $0x40, s23, s25, $0xb8;
	[tilespmem:$0x1AD60] =	vst v63  }
0x4b: {  	s9 =	simm.s32 $0x280;
	s24 =	rddreg [dreg:$0x4];
	s26 =	smulhi.u32 $0x51EB851F, s14  }
0x4c: {  	[tilespmem:s24], [sflag:$0x8] =	stream.indirect.gather.add.f32 [hbm:s3], $0x40, s9, s25, $0xb8;
	[tilespmem:$0x1AD60] =	vst v63  }
0x4d: {  	_ =	swait.ge [sflag:s2], $0x4000  }
0x4e: {  	s8 =	simm.s32 @!p1 $0xF;
	s0 =	sshrl.u32 s26, $0x6;
	[sflag:s2] =	ssyncset.done $0x0  }
0x4f: {  	s0 =	smul.u32 $0xFFFF3800, s0;
	s5 =	rddreg [dreg:$0xf];
	[sflag:s2] =	ssyncadd.s32 $0xFFFFC000  }
0x50: {  	[hbm4b:s5+s13] =	stream.linear.scatter [tilespmem:s31], [sflag:$0xB], $0x4000, $0x38;
	[tilespmem:$0x1AD60] =	vst v63  }
0x51: {  	s0 =	sshra.s32 s0, $0x2;
	_ =	swait.ge @!p1 [sflag:s8], $0x4000  }
0x52: {  	s0 =	sadd.s32 s0, s1;
	[sflag:s8] =	ssyncset.done @!p1 $0x0  }
0x53: {  	s0 =	sadd.s32 $0xFFFF4000, s0;
	s31 =	simm.s32 $0x16D60;
	[sflag:s8] =	ssyncadd.s32 @!p1 $0xFFFFC000  }
0x54: {  	[tilespmem:s31], [sflag:$0x5] =	stream.linear.gather [spmem:s0], $0x4000, $0x38;
	[tilespmem:$0x1AD60] =	vst v63  }
0x55: {  	_ =	swait.ge [sflag:s10], $0x4000  }
0x56: {  	p2 =	por $0x0, $0x0;
	[sflag:s10] =	ssyncset.done $0x0;
	s15 =	rddreg [dreg:$0x11]  }
0x57: {  	s9 =	simm.s32 $0x300;
	[sflag:s10] =	ssyncadd.s32 $0xFFFFC000;
	s17 =	smulhi.u32 $0x51EB851F, s15  }
0x58: {  	[tilespmem:s22], [sflag:$0x9] =	stream.indirect.gather.add.f32 [hbm:s3], $0x40, s9, s25, $0xb8;
	[tilespmem:$0x1AD60] =	vst v63  }
0x59: {  	s18 =	simm.s32 $0x380;
	s10 =	rddreg [dreg:$0x5];
	s0 =	sshrl.u32 s17, $0x6  }
0x5a: {  	[tilespmem:s10], [sflag:$0x9] =	stream.indirect.gather.add.f32 [hbm:s3], $0x40, s18, s25, $0xb8;
	[tilespmem:$0x1AD60] =	vst v63  }
0x5b: {  	p1 =	por p2, p2;
	s0 =	smul.u32 $0xFFFF3800, s0;
	_ =	swait.ge [sflag:s11], $0x4000  }
0x5c: {  	s24 =	simm.s32 $0x400;
	s8 =	simm.s32 @!p1 $0xB;
	s4 =	rddreg [dreg:$0xe]  }
0x5d: {  	[sflag:s11] =	ssyncset.done $0x0;
	s19 =	rddreg [dreg:$0x10];
	s0 =	sshra.s32 @!p2 s0, $0x2  }
0x5e: {  	[sflag:s11] =	ssyncadd.s32 $0xFFFFC000;
	s20 =	smulhi.u32 $0x51EB851F, s19;
	s0 =	sadd.s32 @!p2 s0, s1  }
0x5f: {  	[hbm4b:s4+s13] =	stream.linear.scatter [tilespmem:s6], [sflag:$0xC], $0x4000, $0x38;
	[tilespmem:$0x1AD60] =	vst v63  }
0x60: {  	s30 =	simm.s32 @!p1 $0x1;
	s11 =	sadd.s32 @!p2 $0xFFFF8000, s0;
	_ =	swait.ge @!p1 [sflag:s8], $0x4000  }
0x61: {  	s0 =	simm.s32 @!p1 $0x6D60;
	s22 =	sshrl.u32 s20, $0x6;
	[sflag:s8] =	ssyncset.done @!p1 $0x0  }
0x62: {  	s20 =	simm.s32 @!p2 $0x680;
	s17 =	rddreg [dreg:$0xd];
	[sflag:s8] =	ssyncadd.s32 @!p1 $0xFFFFC000  }
0x63: {  	[tilespmem:s0], [sflag:$0x1] =	stream.linear.gather @!p1 [spmem:s11], $0x4000, $0x38;
	[tilespmem:$0x1AD60] =	vst v63  }
0x64: {  	s10 =	smul.u32 $0xFFFF3800, s22;
	s22 =	simm.s32 @!p2 $0x500;
	_ =	swait.ge [sflag:s12], $0x4000  }
0x65: {  	s21 =	smulhi.u32 $0x51EB851F, s17;
	s8 =	simm.s32 $0x1400;
	[sflag:s12] =	ssyncset.done $0x0  }
0x66: {  	s10 =	sshra.s32 @!p2 s10, $0x2;
	s11 =	simm.s32 @!p1 $0xC;
	[sflag:s12] =	ssyncadd.s32 $0xFFFFC000  }
0x67: {  	[tilespmem:s31], [sflag:$0xA] =	stream.indirect.gather.add.f32 [hbm:s3], $0x40, s24, s25, $0xb8;
	[tilespmem:$0x1AD60] =	vst v63  }
0x68: {  	s23 =	sshrl.u32 s21, $0x6;
	s26 =	rddreg [dreg:$0x6];
	s31 =	simm.s32 $0x480  }
0x69: {  	[tilespmem:s26], [sflag:$0xA] =	stream.indirect.gather.add.f32 [hbm:s3], $0x40, s31, s25, $0xb8;
	[tilespmem:$0x1AD60] =	vst v63  }
0x6a: {  	s10 =	sadd.s32 @!p2 s10, s1;
	s9 =	smul.u32 $0xFFFF3800, s23;
	_ =	swait.ge [sflag:s29], $0x4000  }
0x6b: {  	s21 =	simm.s32 @!p2 $0x580;
	s12 =	simm.s32 @!p2 $0x600;
	[sflag:s29] =	ssyncset.done $0x0  }
0x6c: {  	s9 =	sshra.s32 @!p2 s9, $0x2;
	s28 =	rddreg [dreg:$0x14];
	[sflag:s29] =	ssyncadd.s32 $0xFFFFC000  }
0x6d: {  	[hbm4b:s28+s13] =	stream.linear.scatter [tilespmem:s7], [sflag:$0xD], $0x4000, $0x38;
	[tilespmem:$0x1AD60] =	vst v63  }
0x6e: {  	s18 =	sadd.s32 @!p2 s9, s1;
	s9 =	sadd.s32 @!p2 $0xFFFFC000, s10;
	_ =	swait.ge @!p1 [sflag:s11], $0x4000  }
0x6f: {  	s10 =	sadd.s32 $0x14000, s1;
	s26 =	simm.s32 @!p1 $0xAD60;
	[sflag:s11] =	ssyncset.done @!p1 $0x0  }
0x70: {  	s13 =	sadd.s32 $0x2800, s5;
	s24 =	rddreg [dreg:$0x15];
	[sflag:s11] =	ssyncadd.s32 @!p1 $0xFFFFC000  }
0x71: {  	s11 =	sadd.s32 $0x500, s14;
	s14 =	sadd.s32 $0x500, s16;
	s16 =	sadd.s32 $0x500, s19  }
0x72: {  	[tilespmem:s26], [sflag:$0x2] =	stream.linear.gather @!p1 [spmem:s9], $0x4000, $0x38;
	[tilespmem:$0x1AD60] =	vst v63  }
0x73: {  	s19 =	sadd.s32 $0x500, s15;
	s15 =	rddreg [dreg:$0x12];
	s9 =	smov.u32 s4  }
.LBB2_2:
0x74: {  	s31 =	smulhi.u32 $0x51EB851F, s16  }
0x75: {  	_ =	swait.ge @!p1 [sflag:s30], $0x4000;
	s17 =	sadd.s32 $0x500, s17;
	s4 =	smulhi.u32 $0x51EB851F, s14  }
0x76: {  	s29 =	smov.u32 s8;
	s23 =	simm.s32 @!p1 $0x80;
	s5 =	smulhi.u32 $0x51EB851F, s19  }
0x77: {  	s2 =	simm.s32 $0x9;
	s6 =	smulhi.u32 $0x51EB851F, s11;
	[sflag:s30] =	ssyncset.done @!p1 $0x0  }
0x78: {  	s7 =	simm.s32 $0x12D60;
	s1 =	smulhi.u32 $0x51EB851F, s17;
	[sflag:s30] =	ssyncadd.s32 @!p1 $0xFFFFC000  }
0x79: {  	[tilespmem:s0], [sflag:$0x6] =	stream.indirect.gather.add.f32 @!p1 [hbm:s3], $0x40, s22, s23, $0xb8;
	[tilespmem:$0x1AD60] =	vst v63  }
0x7a: {  	p4 =	seq.s32 s29, $0x17C00;
	p3 =	seq.s32 s29, $0x0;
	s22 =	simm.s32 @!p1 $0x8D60  }
0x7b: {  	[tilespmem:s22], [sflag:$0x6] =	stream.indirect.gather.add.f32 @!p1 [hbm:s3], $0x40, s21, s23, $0xb8;
	[tilespmem:$0x1AD60] =	vst v63  }
0x7c: {  	s31 =	sshrl.u32 s31, $0x6;
	s4 =	sshrl.u32 s4, $0x6;
	_ =	swait.ge [sflag:s2], $0x4000  }
0x7d: {  	s0 =	sshrl.u32 s1, $0x6;
	s30 =	smul.u32 $0xFFFF3800, s31;
	[sflag:s2] =	ssyncset.done $0x0  }
0x7e: {  	s31 =	simm.s32 @!p1 $0xD;
	[sflag:s2] =	ssyncadd.s32 $0xFFFFC000;
	s2 =	simm.s32 $0x0  }
0x7f: {  	[hbm4b:s24+s2] =	stream.linear.scatter [tilespmem:s7], [sflag:$0xE], $0x4000, $0x38;
	[tilespmem:$0x1AD60] =	vst v63  }
0x80: {  	s1 =	sshrl.u32 s5, $0x6;
	s4 =	smul.u32 $0xFFFF3800, s4;
	_ =	swait.ge @!p1 [sflag:s31], $0x4000  }
0x81: {  	s1 =	smul.u32 $0xFFFF3800, s1;
	s22 =	simm.s32 @!p1 $0x2;
	[sflag:s31] =	ssyncset.done @!p1 $0x0  }
0x82: {  	s21 =	sshrl.u32 s6, $0x6;
	s6 =	simm.s32 @!p1 $0xED60;
	[sflag:s31] =	ssyncadd.s32 @!p1 $0xFFFFC000  }
0x83: {  	[tilespmem:s6], [sflag:$0x3] =	stream.linear.gather @!p1 [spmem:s18], $0x4000, $0x38;
	[tilespmem:$0x1AD60] =	vst v63  }
0x84: {  	s5 =	simm.s32 @!p1 $0xCD60;
	s0 =	smul.u32 $0xFFFF3800, s0;
	_ =	swait.ge @!p1 [sflag:s22], $0x4000  }
0x85: {  	s4 =	sshra.s32 s4, $0x2;
	s21 =	smul.u32 $0xFFFF3800, s21;
	[sflag:s22] =	ssyncset.done @!p1 $0x0  }
0x86: {  	s1 =	sshra.s32 @!p4 s1, $0x2;
	s4 =	sadd.s32 s4, s10;
	[sflag:s22] =	ssyncadd.s32 @!p1 $0xFFFFC000  }
0x87: {  	[tilespmem:s26], [sflag:$0x7] =	stream.indirect.gather.add.f32 @!p1 [hbm:s3], $0x40, s12, s23, $0xb8;
	[tilespmem:$0x1AD60] =	vst v63  }
0x88: {  	s0 =	sshra.s32 @!p4 s0, $0x2;
	s1 =	sadd.s32 @!p4 s1, s10;
	s22 =	simm.s32 $0xA  }
0x89: {  	[tilespmem:s5], [sflag:$0x7] =	stream.indirect.gather.add.f32 @!p1 [hbm:s3], $0x40, s20, s23, $0xb8;
	[tilespmem:$0x1AD60] =	vst v63  }
0x8a: {  	s6 =	sshra.s32 @!p4 s30, $0x2;
	s18 =	sadd.s32 @!p4 s0, s10;
	_ =	swait.ge [sflag:s22], $0x4000  }
0x8b: {  	s0 =	simm.s32 @!p3 $0xE;
	s6 =	sadd.s32 @!p4 s6, s10;
	[sflag:s22] =	ssyncset.done $0x0  }
0x8c: {  	s23 =	sadd.s32 @!p4 $0xFFFFC000, s6;
	s6 =	simm.s32 $0x16D60;
	[sflag:s22] =	ssyncadd.s32 $0xFFFFC000  }
0x8d: {  	[hbm4b:s15+s2] =	stream.linear.scatter [tilespmem:s6], [sflag:$0xF], $0x4000, $0x38;
	[tilespmem:$0x1AD60] =	vst v63  }
0x8e: {  	s4 =	sadd.s32 $0xFFFF0000, s4;
	s21 =	sshra.s32 s21, $0x2;
	_ =	swait.ge @!p3 [sflag:s0], $0x4000  }
0x8f: {  	s30 =	sshra.s32 @!p4 s29, $0x2;
	s29 =	sshra.s32 s29, $0x2;
	[sflag:s0] =	ssyncset.done @!p3 $0x0  }
0x90: {  	s12 =	sadd.s32 @!p4 $0x600, s30;
	[sflag:s0] =	ssyncadd.s32 @!p3 $0xFFFFC000;
	s0 =	simm.s32 $0x3  }
0x91: {  	[tilespmem:s7], [sflag:$0x4] =	stream.linear.gather [spmem:s4], $0x4000, $0x38;
	[tilespmem:$0x1AD60] =	vst v63  }
0x92: {  	s5 =	sadd.s32 s21, s10;
	s21 =	sadd.s32 @!p4 $0x580, s30;
	_ =	swait.ge [sflag:s0], $0x4000  }
0x93: {  	s20 =	sadd.s32 @!p4 $0x680, s30;
	s22 =	sadd.s32 @!p4 $0x500, s30;
	[sflag:s0] =	ssyncset.done $0x0  }
0x94: {  	s30 =	simm.s32 $0xED60;
	s4 =	sadd.s32 $0x200, s29;
	[sflag:s0] =	ssyncadd.s32 $0xFFFFC000  }
0x95: {  	[tilespmem:s30], [sflag:$0x8] =	stream.indirect.gather.add.f32 [hbm:s3], $0x40, s4, s25, $0xb8;
	[tilespmem:$0x1AD60] =	vst v63  }
0x96: {  	s26 =	sadd.s32 @!p4 $0xFFFF8000, s1;
	s1 =	rddreg [dreg:$0x4];
	s4 =	sadd.s32 $0x280, s29  }
0x97: {  	[tilespmem:s1], [sflag:$0x8] =	stream.indirect.gather.add.f32 [hbm:s3], $0x40, s4, s25, $0xb8;
	[tilespmem:$0x1AD60] =	vst v63  }
0x98: {  	s4 =	simm.s32 $0x6  }
0x99: {  	_ =	swait.ge [sflag:s4], $0x4000  }
0x9a: {  	[sflag:s4] =	ssyncset.done $0x0  }
0x9b: {  	s31 =	simm.s32 $0x6D60;
	s0 =	simm.s32 @!p3 $0xF;
	[sflag:s4] =	ssyncadd.s32 $0xFFFFC000  }
0x9c: {  	[hbm4b:s13+s2] =	stream.linear.scatter [tilespmem:s31], [sflag:$0xB], $0x4000, $0x38;
	[tilespmem:$0x1AD60] =	vst v63  }
0x9d: {  	_ =	swait.ge @!p3 [sflag:s0], $0x4000  }
0x9e: {  	[sflag:s0] =	ssyncset.done @!p3 $0x0  }
0x9f: {  	s5 =	sadd.s32 $0xFFFF4000, s5;
	[sflag:s0] =	ssyncadd.s32 @!p3 $0xFFFFC000;
	s0 =	simm.s32 $0x4  }
0xa0: {  	[tilespmem:s6], [sflag:$0x5] =	stream.linear.gather [spmem:s5], $0x4000, $0x38;
	[tilespmem:$0x1AD60] =	vst v63  }
0xa1: {  	_ =	swait.ge [sflag:s0], $0x4000  }
0xa2: {  	[sflag:s0] =	ssyncset.done $0x0  }
0xa3: {  	s4 =	sadd.s32 $0x300, s29;
	[sflag:s0] =	ssyncadd.s32 $0xFFFFC000  }
0xa4: {  	[tilespmem:s7], [sflag:$0x9] =	stream.indirect.gather.add.f32 [hbm:s3], $0x40, s4, s25, $0xb8;
	[tilespmem:$0x1AD60] =	vst v63  }
0xa5: {  	s1 =	rddreg [dreg:$0x5];
	s4 =	sadd.s32 $0x380, s29;
	s7 =	simm.s32 $0x7  }
0xa6: {  	[tilespmem:s1], [sflag:$0x9] =	stream.indirect.gather.add.f32 [hbm:s3], $0x40, s4, s25, $0xb8;
	[tilespmem:$0x1AD60] =	vst v63  }
0xa7: {  	_ =	swait.ge [sflag:s7], $0x4000  }
0xa8: {  	s9 =	sadd.s32 $0x2800, s9;
	p1 =	por p4, p4;
	[sflag:s7] =	ssyncset.done $0x0  }
0xa9: {  	s1 =	simm.s32 @!p1 $0xB;
	s4 =	simm.s32 $0xAD60;
	[sflag:s7] =	ssyncadd.s32 $0xFFFFC000  }
0xaa: {  	[hbm4b:s9+s2] =	stream.linear.scatter [tilespmem:s4], [sflag:$0xC], $0x4000, $0x38;
	[tilespmem:$0x1AD60] =	vst v63  }
0xab: {  	_ =	swait.ge @!p1 [sflag:s1], $0x4000  }
0xac: {  	[sflag:s1] =	ssyncset.done @!p1 $0x0  }
0xad: {  	s0 =	simm.s32 @!p1 $0x6D60;
	s7 =	simm.s32 $0x5;
	[sflag:s1] =	ssyncadd.s32 @!p1 $0xFFFFC000  }
0xae: {  	[tilespmem:s0], [sflag:$0x1] =	stream.linear.gather @!p1 [spmem:s26], $0x4000, $0x38;
	[tilespmem:$0x1AD60] =	vst v63  }
0xaf: {  	_ =	swait.ge [sflag:s7], $0x4000  }
0xb0: {  	s8 =	sadd.s32 $0x1400, s8;
	[sflag:s7] =	ssyncset.done $0x0  }
0xb1: {  	s28 =	sadd.s32 $0x2800, s28;
	s26 =	sadd.s32 $0x400, s29;
	[sflag:s7] =	ssyncadd.s32 $0xFFFFC000  }
0xb2: {  	[tilespmem:s6], [sflag:$0xA] =	stream.indirect.gather.add.f32 [hbm:s3], $0x40, s26, s25, $0xb8;
	[tilespmem:$0x1AD60] =	vst v63  }
0xb3: {  	s4 =	rddreg [dreg:$0x6];
	s26 =	sadd.s32 $0x480, s29;
	s29 =	simm.s32 $0x8  }
0xb4: {  	[tilespmem:s4], [sflag:$0xA] =	stream.indirect.gather.add.f32 [hbm:s3], $0x40, s26, s25, $0xb8;
	[tilespmem:$0x1AD60] =	vst v63  }
0xb5: {  	s11 =	sadd.s32 $0x500, s11;
	s14 =	sadd.s32 $0x500, s14;
	_ =	swait.ge [sflag:s29], $0x4000  }
0xb6: {  	s16 =	sadd.s32 $0x500, s16;
	s19 =	sadd.s32 $0x500, s19;
	[sflag:s29] =	ssyncset.done $0x0  }
0xb7: {  	p2 =	sne.s32 s8, $0x19000;
	s24 =	sadd.s32 $0x2800, s24;
	[sflag:s29] =	ssyncadd.s32 $0xFFFFC000  }
0xb8: {  	[hbm4b:s28+s2] =	stream.linear.scatter [tilespmem:s30], [sflag:$0xD], $0x4000, $0x38;
	[tilespmem:$0x1AD60] =	vst v63  }
.Ltmp0:
0xb9: {  	s10 =	sadd.s32 $0x14000, s10;
	s1 =	simm.s32 @!p1 $0xC;
	(pc) =	sbr.rel @p2 .LBB2_2-.Ltmp0, $4  }
0xba: {  	s15 =	sadd.s32 $0x2800, s15;
	s13 =	sadd.s32 $0x2800, s13;
	_ =	swait.ge @!p1 [sflag:s1], $0x4000  }
0xbb: {  	s5 =	simm.s32 $0x12D60;
	s7 =	simm.s32 $0x16D60;
	[sflag:s1] =	ssyncset.done @!p1 $0x0  }
0xbc: {  	s26 =	simm.s32 @!p1 $0xAD60;
	s30 =	simm.s32 @!p1 $0x1;
	[sflag:s1] =	ssyncadd.s32 @!p1 $0xFFFFC000  }
0xbd: {  	[tilespmem:s26], [sflag:$0x2] =	stream.linear.gather @!p1 [spmem:s23], $0x4000, $0x38;
	[tilespmem:$0x1AD60] =	vst v63  }
0xbe: {  	_ =	swait.ge @!p1 [sflag:s30], $0x4000  }
0xbf: {  	[sflag:s30] =	ssyncset.done @!p1 $0x0  }
0xc0: {  	s1 =	simm.s32 @!p1 $0x80;
	[sflag:s30] =	ssyncadd.s32 @!p1 $0xFFFFC000  }
0xc1: {  	[tilespmem:s0], [sflag:$0x6] =	stream.indirect.gather.add.f32 @!p1 [hbm:s3], $0x40, s22, s1, $0xb8;
	[tilespmem:$0x1AD60] =	vst v63  }
0xc2: {  	s19 =	simm.s32 $0x9;
	s0 =	simm.s32 @!p1 $0x8D60  }
0xc3: {  	[tilespmem:s0], [sflag:$0x6] =	stream.indirect.gather.add.f32 @!p1 [hbm:s3], $0x40, s21, s1, $0xb8;
	[tilespmem:$0x1AD60] =	vst v63  }
0xc4: {  	_ =	swait.ge [sflag:s19], $0x4000  }
0xc5: {  	[sflag:s19] =	ssyncset.done $0x0  }
0xc6: {  	s2 =	simm.s32 $0x0;
	s0 =	simm.s32 @!p1 $0xD;
	[sflag:s19] =	ssyncadd.s32 $0xFFFFC000  }
0xc7: {  	[hbm4b:s24+s2] =	stream.linear.scatter [tilespmem:s5], [sflag:$0xE], $0x4000, $0x38;
	[tilespmem:$0x1AD60] =	vst v63  }
0xc8: {  	_ =	swait.ge @!p1 [sflag:s0], $0x4000  }
0xc9: {  	[sflag:s0] =	ssyncset.done @!p1 $0x0  }
0xca: {  	s4 =	simm.s32 @!p1 $0x2;
	s5 =	simm.s32 @!p1 $0xED60;
	[sflag:s0] =	ssyncadd.s32 @!p1 $0xFFFFC000  }
0xcb: {  	[tilespmem:s5], [sflag:$0x3] =	stream.linear.gather @!p1 [spmem:s18], $0x4000, $0x38;
	[tilespmem:$0x1AD60] =	vst v63  }
0xcc: {  	_ =	swait.ge @!p1 [sflag:s4], $0x4000  }
0xcd: {  	[sflag:s4] =	ssyncset.done @!p1 $0x0  }
0xce: {  	[sflag:s4] =	ssyncadd.s32 @!p1 $0xFFFFC000  }
0xcf: {  	[tilespmem:s26], [sflag:$0x7] =	stream.indirect.gather.add.f32 @!p1 [hbm:s3], $0x40, s12, s1, $0xb8;
	[tilespmem:$0x1AD60] =	vst v63  }
0xd0: {  	s0 =	simm.s32 @!p1 $0xCD60  }
0xd1: {  	[tilespmem:s0], [sflag:$0x7] =	stream.indirect.gather.add.f32 @!p1 [hbm:s3], $0x40, s20, s1, $0xb8;
	[tilespmem:$0x1AD60] =	vst v63  }
0xd2: {  	s20 =	simm.s32 $0xA  }
0xd3: {  	_ =	swait.ge [sflag:s20], $0x4000  }
0xd4: {  	[sflag:s20] =	ssyncset.done $0x0  }
0xd5: {  	s21 =	simm.s32 $0xB;
	[sflag:s20] =	ssyncadd.s32 $0xFFFFC000  }
0xd6: {  	[hbm4b:s15+s2] =	stream.linear.scatter [tilespmem:s7], [sflag:$0xF], $0x4000, $0x38;
	[tilespmem:$0x1AD60] =	vst v63  }
0xd7: {  	_ =	swait.ge [sflag:s21], $0x4000  }
0xd8: {  	[sflag:s21] =	ssyncset.done $0x0  }
0xd9: {  	s22 =	simm.s32 $0xC;
	[sflag:s21] =	ssyncadd.s32 $0xFFFFC000  }
0xda: {  	_ =	swait.ge [sflag:s22], $0x4000  }
0xdb: {  	[sflag:s22] =	ssyncset.done $0x0  }
0xdc: {  	s23 =	simm.s32 $0xD;
	[sflag:s22] =	ssyncadd.s32 $0xFFFFC000  }
0xdd: {  	_ =	swait.ge [sflag:s23], $0x4000  }
0xde: {  	[sflag:s23] =	ssyncset.done $0x0  }
0xdf: {  	s24 =	simm.s32 $0xE;
	[sflag:s23] =	ssyncadd.s32 $0xFFFFC000  }
0xe0: {  	_ =	swait.ge [sflag:s24], $0x4000  }
0xe1: {  	[sflag:s24] =	ssyncset.done $0x0  }
0xe2: {  	s26 =	simm.s32 $0xF;
	[sflag:s24] =	ssyncadd.s32 $0xFFFFC000  }
0xe3: {  	_ =	swait.ge [sflag:s26], $0x4000  }
0xe4: {  	s28 =	rddreg [dreg:$0x17]  }
0xe5: {  	s30 =	rddreg [dreg:$0xb];
	s4 =	sadd.s32 $0x1, s28  }
0xe6: {  	p1 =	sne.s32 s4, s30  }
.Ltmp1:
0xe7: {  	_ = 	snop;
	(pc) =	sbr.rel @p1 .LBB2_1-.Ltmp1, $4  }
0xe8: {  	_ = 	snop  }
0xe9: {  	s6 =	simm.s32 $0xAD60;
	s10 =	simm.s32 $0x4;
	s11 =	simm.s32 $0x7  }
0xea: {  	s5 =	simm.s32 $0x3;
	s12 =	simm.s32 $0x5;
	[sflag:s26] =	ssyncset.done $0x0  }
0xeb: {  	s7 =	simm.s32 $0xED60;
	s2 =	simm.s32 $0x6;
	[sflag:s26] =	ssyncadd.s32 $0xFFFFC000  }
0xec: {  	_ =	sfence.sel $0x180000  }
0xed: {  	[bflag:$0x0] =	sbarrier.arrive $0xFFFF  }
0xee: {  	_ =	strace $0x90000047  }
0xef: {  	[bflag:$0x2] =	sbarrier.arrive $0xFFFF  }
0xf0: {  	s0 =	rddreg [dreg:$0x3]  }
0xf1: {  	s0 =	sadd.s32 @!p0 $0x100000, s0  }
0xf2: {  	[sflag:s0] =	ssyncadd.tile.s32 @!p0 $0x1;
	_ =	shalt  }
.Lfunc_end2:
_tile_overlayer_lowered:
.L_overlay_start_2:
0xf3: {  	(tag) =	ssettag $0x2  }
0xf4: {  	s0 =	rddreg [dreg:$0x0];
	s2 =	stileid.u32  }
0xf5: {  	s1 =	rddreg [dreg:$0x1];
	p0 =	sne.s32 s2, $0x0  }
0xf6: {  	s3 =	rddreg [dreg:$0x2];
	[bflag:$0x3] =	sbarrier.arrive $0xFFFF;
	s2 =	simm.s32 @!p0 $0x1C10  }
0xf7: {  	[timem:s3], [sflag:s2] =	dma.local @!p0 [hbm:s0], s1  }
0xf8: {  	s0 =	simm.s32 @!p0 $0x10  }
0xf9: {  	_ =	swait.ge @!p0 [sflag:s0], s1  }
0xfa: {  	s1 =	ssub.s32 @!p0 $0x0, s1;
	[sflag:s0] =	ssyncset.done @!p0 $0x0  }
0xfb: {  	[sflag:s0] =	ssyncadd.s32 @!p0 s1  }
0xfc: {  	[bflag:$0x3] =	sbarrier.arrive $0xFFFF  }
0xfd: {  	_ =	shalt  }

// kernel: sparse-core-data-format-call.cloned.1.call-start
scs
called_computation_lowered:
.L_overlay_start_0:
0x0: {  	s2 =	sld [smem:$0x3FD9]  }
0x1: {  	s3 =	sld [smem:$0x3FFE];
	_ =	sdelay $0x1  }
0x2: {  	s1 =	srdreg.scid  }
0x3: {  	s0 =	sand.u32 $0x1, s1  }
0x4: {  	s18 =	sshll.u32 s0, $0xA;
	s2 =	sadd.s32 s3, s2  }
0x5: {  	s2 =	sadd.s32 s2, s18  }
0x6: {  	[smem:$0x3FC5] =	sst s2  }
0x7: {  	_ = 	snop  }
0x8: {  	s2 =	sld [smem:$0x3FD0];
	(tm) =	ssettm $0x1  }
0x9: {  	s19 =	sld [smem:$0x3FFB];
	_ =	sdelay $0x3  }
0xa: {  	_ =	strace s19  }
0xb: {  	s3 =	sld [smem:$0x3FFC];
	_ =	sdelay $0x3  }
0xc: {  	_ =	strace s3  }
0xd: {  	s3 =	sld [smem:$0x3FFD];
	_ =	sdelay $0x3  }
0xe: {  	_ =	strace s3  }
0xf: {  	_ =	strace $0x8FFFFFFF  }
0x10: {  	s20 =	sld [smem:$0x3FDB];
	_ =	sdelay $0x1  }
0x11: {  	s4 =	simm.s32 $_scs_section_size  }
0x12: {  	s5 =	simm.s32 $_size__tile_overlayer_lowered;
	s6 =	simm.s32 $_tile_overlayer_lowered  }
0x13: {  	s23 =	simm.s32 $0x1BFF;
	s22 =	sshll.u32 s6, $0x1;
	s3 =	sadd.s32 s4, s20  }
0x14: {  	s7 =	simm.s32 $0x0;
	s21 =	sshll.u32 s5, $0x1;
	s5 =	sadd.s32 s22, s3  }
0x15: {  	[timem:s7], [sflag:s23] =	dma.local [hbm:s5], s21  }
0x16: {  	_ =	swait.ge [sflag:s23], s21  }
0x17: {  	s4 =	ssub.s32 $0x0, s21;
	[sflag:s23] =	ssyncset.done $0x0  }
0x18: {  	[sflag:s23] =	ssyncadd.s32 s4;
	_ =	sdelay $0x1  }
0x19: {  	s24 =	simm.s32 $0x1B8B  }
0x1a: {  	_ =	swait.ge [sflag:s24], $0x1  }
0x1b: {  	[sflag:s24] =	ssyncset.done $0x0  }
0x1c: {  	s26 =	simm.s32 $0x1B8E;
	s25 =	sld [smem:$0x3FFE];
	[sflag:s24] =	ssyncadd.s32 $0xFFFFFFFF  }
0x1d: {  	s27 =	simm.s32 $execute0_lowered;
	[smem:$0x3FD2] =	sst s26  }
0x1e: {  	s5 =	sshll.u32 s27, $0x1;
	_ =	strace $0x80000049;
	[dreg:$0x1] =	wrdreg $0xFFFFFFFF  }
0x1f: {  	s28 =	simm.s32 $_size_execute0_lowered;
	s3 =	sadd.s32 s3, s5;
	[dreg:$0x0] =	wrdreg $0x0  }
0x20: {  	s5 =	sshll.u32 s28, $0x1;
	[dreg:$0x2] =	wrdreg s3  }
0x21: {  	[dreg:$0x3] =	wrdreg s5  }
0x22: {  	[dreg:$0x4] =	wrdreg $0xC0  }
0x23: {  	_ =	task [dreg:s7], $0x5FFFF  }
0x24: {  	[dreg:$0x1] =	wrdreg $0xFFFFFFFF  }
0x25: {  	[dreg:$0x0] =	wrdreg $0x60  }
0x26: {  	[dreg:$0x2] =	wrdreg s25  }
0x27: {  	[dreg:$0x3] =	wrdreg s2  }
0x28: {  	[dreg:$0x4] =	wrdreg $0x9  }
0x29: {  	_ =	task.clear_ibuf [dreg:s7], $0x5FFFF;
	_ =	strace $0x90000049  }
0x2a: {  	s29 =	simm.s32 $0x9;
	_ =	strace $0x8000004B  }
0x2b: {  	_ =	swait.ge [sflag:s29], $0x1  }
0x2c: {  	[sflag:s29] =	ssyncadd.s32 $0xFFFFFFFF  }
0x2d: {  	_ =	strace $0x9000004B  }
0x2e: {  	_ =	sfence  }
0x2f: {  	s30 =	sld [smem:$0x0];
	_ =	sdelay $0x2  }
0x30: {  	s31 =	sshll.u32 s1, $0xD;
	s1 =	sshrl.u32 s1, $0x2  }
0x31: {  	s3 =	sand.u32 $0x4000, s31;
	s1 =	sadd.s32 s1, s30  }
0x32: {  	s0 =	sor.u32 s3, s0;
	s1 =	sshll.u32 s1, $0x11  }
0x33: {  	s0 =	sor.u32 s1, s0  }
0x34: {  	s0 =	sadd.s32 $0x8F2B, s0  }
0x35: {  	[sflag:s0] =	ssyncadd.remote.s32 $0x1  }
0x36: {  	_ =	sfence.sel $0xFFFF  }
0x37: {  	[dreg:$0x0] =	wrdreg $0xFFFFFFFF;
	(pc) =	sbr.abs _section_cstart, $3  }
0x38: {  	[dreg:$0x1] =	wrdreg $0xFFFFFFFF  }
0x39: {  	_ =	task.clear_ibuf [dreg:s7], $0x2FFFF;
	_ =	strace $0x9FFFFFFF  }
0x3a: {  	(tm) =	ssettm $0x7FFFFFFF  }
0x3b: {  	_ =	shalt  }
tec
execute0_lowered:
.L_overlay_start_1:
0x0: {  	(tag) =	ssettag $0x1  }
0x1: {  	s0 =	srdreg.scid  }
0x2: {  	s1 =	sshll.u32 s0, $0x4  }
0x3: {  	s0 =	stileid.u32;
	s1 =	sand.u32 $0x10, s1  }
0x4: {  	s1 =	sor.u32 s0, s1  }
0x5: {  	s6 =	rddreg [dreg:$0x0];
	s4 =	simm.s32 $0x1;
	s2 =	sshll.u32 s1, $0x7  }
0x6: {  	s7 =	simm.s32 $0x2;
	s12 =	simm.s32 $0x0;
	s1 =	ssub.s32 $0x1000, s2  }
0x7: {  	s8 =	simm.s32 $0x8000;
	s13 =	simm.s32 $0x0;
	s3 =	sand.u32 $0xF80, s1  }
0x8: {  	s9 =	simm.s32 $0x0;
	s5 =	sshrl.u32 s1, $0xC;
	p0 =	sne.s32 s3, $0x0  }
.Ltmp0:
0x9: {  	s1 =	rddreg [dreg:$0x2];
	s4 =	simm.s32 @!p0 $0x0;
	(pc) =	sbr.rel .LBB1_1-.Ltmp0, $4  }
0xa: {  	s11 =	simm.s32 $0x0;
	s3 =	rddreg [dreg:$0x1];
	s5 =	sadd.s32 s4, s5  }
0xb: {  	_ =	strace $0x8000004A;
	s4 =	simm.s32 $0x1;
	s5 =	smul.u32 $0xC8, s5  }
0xc: {  	s6 =	sadd.s32 $0xC00, s6;
	s10 =	smov.u32 s2;
	[sflag:s4] =	ssyncpa.u1 $0x0  }
0xd: {  	p0 =	por $0x0, $0x0;
	[sflag:s7] =	ssyncpa.u1 $0x0;
	s7 =	sor.u32 $0x1, s5  }
.LBB1_4:
0xe: {  	s16 =	sshll.u32 s13, $0x3;
	s17 =	sand.u32 $0x78, s13  }
0xf: {  	s30 =	sand.u32 $0x7E00, s13;
	s12 =	sshll.u32 s12, $0xF;
	s16 =	sand.u32 $0xC00, s16  }
0x10: {  	[tilespmem:s15+$0x810 ss:$0x81] =	vst.msk $0xffff, v2;
	s31 =	sand.u32 $0x7, s13;
	s16 =	sor.u32 s17, s16;
	s17 =	sadd.s32 s3, s30  }
0x11: {  	[tilespmem:s15+$0x1020 ss:$0x81] =	vst.msk $0xffff, v0;
	s13 =	sshll.u32 s31, $0x12;
	s12 =	sadd.s32 s12, s17;
	s16 =	sshrl.u32 s16, $0x3  }
0x12: {  	[tilespmem:s15+$0x0 ss:$0x81] =	vst.msk $0xffff, v1;
	s13 =	sor.u32 $0x400, s13;
	s12 =	sadd.s32 s16, s12  }
0x13: {  	[hbm4b:s12+s13] =	stream.strided.scatter [tilespmem:s14], [sflag:$0x2], $0x2000, s8, s13, $0x20;
	[tilespmem:$0x8080] =	vst v63  }
.LBB1_5:
0x14: {  	s14 =	sadd.s32 $0x1, s9  }
0x15: {  	s12 =	sadd.s32 $0x1000, s10;
	s16 =	smov.u32 s10;
	p2 =	sgt.s32 s14, $0xC7  }
0x16: {  	s16 =	smov.u32 @p2 s12  }
0x17: {  	s14 =	simm.s32 @p2 $0x0;
	p2 =	sgt.s32 s16, $0xFFF  }
0x18: {  	s16 =	smov.u32 @p2 s2;
	p2 =	sne.s32 s11, s7  }
.Ltmp1:
0x19: {  	p1 =	slt.u32 s11, $0x2;
	(pc) =	sbr.rel @!p2 .LBB1_6-.Ltmp1, $4  }
0x1a: {  	s15 =	simm.s32 @!p1 $0x2  }
0x1b: {  	s13 =	smov.u32 s10;
	p0 =	por !p0, !p0;
	_ =	swait.ge @!p1 [sflag:s15], $0x2000  }
0x1c: {  	s12 =	smov.u32 s9;
	[sflag:s15] =	ssyncset.done @!p1 $0x0;
	s9 =	smov.u32 s14  }
0x1d: {  	s11 =	sadd.s32 $0x1, s11;
	[sflag:s15] =	ssyncadd.s32 @!p1 $0xFFFFE000;
	s10 =	smov.u32 s16  }
.LBB1_1:
0x1e: {  	p1 =	sge.u32 s11, s5  }
0x1f: {  	s14 =	sand.u32 @!p1 $0x1FFFFFF, s9  }
0x20: {  	s15 =	smulhi.u32 @!p1 $0x147AE15, s14;
	_ =	sdelay $0x1  }
0x21: {  	s15 =	smul.u32 @!p1 $0xC8, s15  }
0x22: {  	s16 =	sxor.u32 @!p1 $0xFFFFFFFF, s11;
	s17 =	smul.u32 @!p1 $0xC80, s10  }
0x23: {  	s31 =	sadd.s32 $0xFFFFFFFF, s11;
	s16 =	sshll.u32 @!p1 s16, $0xD;
	s14 =	ssub.s32 @!p1 s14, s15  }
0x24: {  	s15 =	sand.u32 @!p1 $0x2000, s16;
	s16 =	sadd.s32 @!p1 s6, s17;
	s14 =	sshll.u32 @!p1 s14, $0x4  }
0x25: {  	s17 =	simm.s32 @!p1 $0x6400;
	s14 =	sadd.s32 @!p1 s14, s16;
	s16 =	simm.s32 @!p1 $0x40  }
0x26: {  	[tilespmem:s15], [sflag:$0x1] =	stream.strided.gather @!p1 [hbm4b:s14+s16], $0x2000, s17, s16, $0x38;
	[tilespmem:$0x8080] =	vst v63  }
0x27: {  	p1 =	sge.u32 s31, s5  }
.Ltmp2:
0x28: {  	_ = 	snop;
	(pc) =	sbr.rel @p1 .LBB1_5-.Ltmp2, $1  }
0x29: {  	_ =	sdelay $0x3  }
0x2a: {  	s14 =	simm.s32 $0x1  }
0x2b: {  	_ =	swait.ge [sflag:s4], $0x2000;
	s14 =	simm.s32 @!p0 $0x0  }
0x2c: {  	[sflag:s4] =	ssyncset.done $0x0;
	s15 =	sshll.u32 s14, $0xD  }
0x2d: {  	[sflag:s4] =	ssyncadd.s32 $0xFFFFE000;
	s18 =	sor.u32 $0x20, s15  }
0x2e: {  	s14 =	smul.u32 $0x8100, s14;
	v3 =	vld [tilespmem:s18+$0x10]  }
0x2f: {  	s30 =	sand.u32 $0x1, s11;
	v2 =	vld [tilespmem:s18+$0xFFFFFFF0]  }
0x30: {  	s15 =	smul.u32 $0x8100, s30;
	s14 =	sshrl.u32 s14, $0x2;
	v0 =	vld [tilespmem:s18+$0x0]  }
0x31: {  	v1 =	vld [tilespmem:s18+$0xFFFFFFE0];
	s16 =	sor.u32 $0x4000, s14  }
0x32: {  	s31 =	sshrl.u32 s15, $0x2;
	s15 =	sadd.s32 $0x0, s16  }
0x33: {  	s17 =	simm.s32 $0x4;
	s18 =	sadd.s32 $0x40, s18;
	s14 =	sor.u32 $0x4000, s31;
	[tilespmem:s15+$0x1830 ss:$0x81] =	vst.msk $0xffff, v3  }
.LBB1_3:
0x34: {  	v3 =	vld [tilespmem:s18+$0x10];
	p1 =	sne.s32 s17, $0x1FC;
	[tilespmem:s15+$0x810 ss:$0x81] =	vst.msk $0xffff, v2;
	s19 =	smov.u32 s17;
	s17 =	sadd.s32 $0x4, s17  }
.Ltmp3:
0x35: {  	v2 =	vld [tilespmem:s18+$0xFFFFFFF0];
	[tilespmem:s15+$0x1020 ss:$0x81] =	vst.msk $0xffff, v0;
	(pc) =	sbr.rel @p1 .LBB1_3-.Ltmp3, $4  }
0x36: {  	v0 =	vld [tilespmem:s18+$0x0];
	[tilespmem:s15+$0x0 ss:$0x81] =	vst.msk $0xffff, v1  }
0x37: {  	s15 =	sshra.s32 s19, $0x2;
	v1 =	vld [tilespmem:s18+$0xFFFFFFE0]  }
0x38: {  	s15 =	sadd.s32 s15, s16  }
0x39: {  	s18 =	sadd.s32 $0x40, s18;
	[tilespmem:s15+$0x1830 ss:$0x81] =	vst.msk $0xffff, v3  }
.Ltmp4:
0x3a: {  	_ = 	snop;
	(pc) =	sbr.rel .LBB1_4-.Ltmp4, $1  }
0x3b: {  	_ =	sdelay $0x3  }
.LBB1_6:
0x3c: {  	_ =	sfence.sel $0x180000  }
0x3d: {  	s2 =	simm.s32 $0x1;
	[bflag:$0x0] =	sbarrier.arrive $0xFFFF  }
0x3e: {  	s31 =	simm.s32 $0x2;
	[sflag:s2] =	ssyncpa.u1 $0x1  }
0x3f: {  	[sflag:s31] =	ssyncpa.u1 $0x1  }
0x40: {  	p0 =	sne.s32 s0, $0x0;
	_ =	strace $0x9000004A  }
0x41: {  	s0 =	sadd.s32 @!p0 $0x100000, s1;
	[bflag:$0x2] =	sbarrier.arrive $0xFFFF  }
0x42: {  	[sflag:s0] =	ssyncadd.tile.s32 @!p0 $0x1;
	_ =	shalt  }
.Lfunc_end1:
_tile_overlayer_lowered:
.L_overlay_start_2:
0x43: {  	(tag) =	ssettag $0x2  }
0x44: {  	s0 =	rddreg [dreg:$0x0];
	s2 =	stileid.u32  }
0x45: {  	s1 =	rddreg [dreg:$0x1];
	p0 =	sne.s32 s2, $0x0  }
0x46: {  	s3 =	rddreg [dreg:$0x2];
	[bflag:$0x3] =	sbarrier.arrive $0xFFFF;
	s2 =	simm.s32 @!p0 $0x1C01  }
0x47: {  	[timem:s3], [sflag:s2] =	dma.local @!p0 [hbm:s0], s1  }
0x48: {  	s0 =	simm.s32 @!p0 $0x1  }
0x49: {  	_ =	swait.ge @!p0 [sflag:s0], s1  }
0x4a: {  	s1 =	ssub.s32 @!p0 $0x0, s1;
	[sflag:s0] =	ssyncset.done @!p0 $0x0  }
0x4b: {  	[sflag:s0] =	ssyncadd.s32 @!p0 s1  }
0x4c: {  	[bflag:$0x3] =	sbarrier.arrive $0xFFFF  }
0x4d: {  	_ =	shalt  }

</sc_bundles>
